<compile_context>
chip_gen: v7x
topology: tpu7x:2x2x1
jax: 0.10.2.dev20260603
libtpu: 0.0.44.dev20260713+nightly
codegen_flags: <defaults>
</compile_context>

<pallas_src>
import functools

import jax
import jax.numpy as jnp
from jax import lax
from jax.experimental import pallas as pl
from jax.experimental.pallas import tpu as pltpu
from jax.experimental.pallas import tpu_sc as plsc

_D_MODEL = 4096
_N_EXPERT = 64
_TOP_K = 8
_BLOCK_T = 1024
_NC, _NS, _L = 2, 16, 16
_NW = _NC * _NS

_GATHER_DNUMS = lax.GatherDimensionNumbers(
    offset_dims=(), collapsed_slice_dims=(0,), start_index_map=(0,))


def _probs_block(x_ref, w_ref, probs_ref):
    x = x_ref[...]
    w = w_ref[...]
    logits_t = jax.lax.dot_general(
        w, x, (((1,), (1,)), ((), ())),
        preferred_element_type=jnp.float32)
    m = jnp.max(logits_t, axis=0, keepdims=True)
    e = jnp.exp(logits_t - m)
    probs_t = e / jnp.sum(e, axis=0, keepdims=True)
    probs_ref[...] = probs_t.T


def _tc_probs(x, W_gate):
    n_tokens, d_model = x.shape
    n_expert = W_gate.shape[0]
    return pl.pallas_call(
        _probs_block,
        grid=(n_tokens // _BLOCK_T,),
        in_specs=[
            pl.BlockSpec((_BLOCK_T, d_model), lambda i: (i, 0)),
            pl.BlockSpec((n_expert, d_model), lambda i: (0, 0)),
        ],
        out_specs=pl.BlockSpec((_BLOCK_T, n_expert), lambda i: (i, 0)),
        out_shape=jax.ShapeDtypeStruct((n_tokens, n_expert), jnp.float32),
        compiler_params=pltpu.CompilerParams(
            dimension_semantics=("parallel",)),
    )(x, W_gate)


def _shuf(v, idx):
    return lax.gather(v, idx[:, None], _GATHER_DNUMS, (1,),
                      mode=lax.GatherScatterMode.PROMISE_IN_BOUNDS)


def _bfly(v, op, lane):
    for k in (8, 4, 2, 1):
        v = op(v, _shuf(v, lane ^ k))
    return v


def _make_sc_topk(n_tokens):
    rows = n_tokens // _NW
    mesh = plsc.VectorSubcoreMesh(core_axis_name="c", subcore_axis_name="s")

    @functools.partial(
        pl.kernel,
        out_type=[
            jax.ShapeDtypeStruct((n_tokens * _L,), jnp.float32),
            jax.ShapeDtypeStruct((n_tokens * _L,), jnp.int32),
        ],
        mesh=mesh,
        scratch_types=[
            pltpu.VMEM((rows * _N_EXPERT,), jnp.float32),
            pltpu.VMEM((rows * _L,), jnp.float32),
            pltpu.VMEM((rows * _L,), jnp.int32),
        ],
    )
    def sc_topk(probs_hbm, tp_hbm, ti_hbm, probs_v, tp_v, ti_v):
        wid = lax.axis_index("s") * _NC + lax.axis_index("c")
        base = wid * rows
        pltpu.sync_copy(probs_hbm.at[pl.ds(base * _N_EXPERT,
                                           rows * _N_EXPERT)], probs_v)
        lane = lax.iota(jnp.int32, _L)
        glane = [lane + g * _L for g in range(4)]

        def body(t, carry):
            v = [probs_v[pl.ds(t * _N_EXPERT + g * _L, _L)]
                 for g in range(4)]
            tpvec = jnp.zeros((_L,), jnp.float32)
            tivec = jnp.zeros((_L,), jnp.int32)
            for k in range(_TOP_K):
                m = jnp.maximum(jnp.maximum(v[0], v[1]),
                                jnp.maximum(v[2], v[3]))
                m = _bfly(m, jnp.maximum, lane)
                cand = jnp.minimum(
                    jnp.minimum(
                        jnp.where(v[0] == m, glane[0], _N_EXPERT),
                        jnp.where(v[1] == m, glane[1], _N_EXPERT)),
                    jnp.minimum(
                        jnp.where(v[2] == m, glane[2], _N_EXPERT),
                        jnp.where(v[3] == m, glane[3], _N_EXPERT)))
                idx = _bfly(cand, jnp.minimum, lane)
                tpvec = jnp.where(lane == k, m, tpvec)
                tivec = jnp.where(lane == k, idx, tivec)
                v = [jnp.where(glane[g] == idx, -1.0, v[g])
                     for g in range(4)]
            ssum = _bfly(jnp.where(lane < _TOP_K, tpvec, 0.0),
                         jnp.add, lane)
            tp_v[pl.ds(t * _L, _L)] = tpvec / ssum
            ti_v[pl.ds(t * _L, _L)] = tivec
            return carry

        lax.fori_loop(0, rows, body, 0)
        pltpu.sync_copy(tp_v, tp_hbm.at[pl.ds(base * _L, rows * _L)])
        pltpu.sync_copy(ti_v, ti_hbm.at[pl.ds(base * _L, rows * _L)])

    return sc_topk


def kernel(x, W_gate):
    n_tokens = x.shape[0]
    probs = _tc_probs(x, W_gate)
    tp16, ti16 = _make_sc_topk(n_tokens)(probs.reshape(-1))
    tp = tp16.reshape(n_tokens, _L)[:, :_TOP_K]
    ti = ti16.reshape(n_tokens, _L)[:, :_TOP_K]
    return (tp, ti, probs)

# --- scband reference (transcript-rebuilt; emitter-appended) ---
"""Pipeline reference for scband-router-43310450213488 (READ-ONLY COPY).

The authoritative reference and input builder live on the scoring server;
editing this copy changes nothing except your own understanding.
"""

import jax, jax.numpy as jnp
import numpy as np

D_MODEL = 4096
N_EXPERT = 64
TOP_K = 8
N_TOKENS = 16384

def setup_inputs(seed: int = 0) -> dict:
    key = jax.random.key(seed)
    k1, k2 = jax.random.split(key)
    x = jax.random.normal(k1, (N_TOKENS, D_MODEL), dtype=jnp.float32)
    # gate: nn.Linear(n_embd, n_expert, bias=False) -> weight [n_expert, n_embd]
    bound = 1.0 / np.sqrt(D_MODEL)
    W_gate = jax.random.uniform(k2, (N_EXPERT, D_MODEL), dtype=jnp.float32, minval=-bound, maxval=bound)
    return {"x": x, "W_gate": W_gate}

def reference(x, W_gate):
    # logits = self.gate(x)
    logits = x @ W_gate.T
    # probs = softmax(logits, dim=-1)
    probs = jax.nn.softmax(logits, axis=-1)
    # topk_probs, topk_indices = probs.topk(top_k, dim=-1)
    topk_probs, topk_indices = jax.lax.top_k(probs, TOP_K)
    # renormalize
    topk_probs = topk_probs / jnp.sum(topk_probs, axis=-1, keepdims=True)
    return (topk_probs, topk_indices, probs)

if __name__ == "__main__":
    import jax
    _d = setup_inputs()
    print(jax.jit(kernel)(*tuple(_d.values())))

</pallas_src>

<mosaic_0001>
#map = affine_map<(d0, d1) -> (0)>
module attributes {stable_mosaic.version = 14 : i64} {
  func.func @sc_topk(%arg0: i32, %arg1: i32, %arg2: memref<1048576xf32, #tpu.memory_space<hbm>>, %arg3: memref<262144xf32, #tpu.memory_space<hbm>>, %arg4: memref<262144xi32, #tpu.memory_space<hbm>>, %arg5: memref<32768xf32, #tpu.memory_space<vmem>>, %arg6: memref<8192xf32, #tpu.memory_space<vmem>>, %arg7: memref<8192xi32, #tpu.memory_space<vmem>>) attributes {dimension_semantics = [#tpu.dimension_semantics<core_parallel>, #tpu.dimension_semantics<subcore_parallel>], iteration_bounds = array<i64: 2, 16>, scalar_prefetch = 0 : i64, scratch_operands = 3 : i64, tpu.core_type = #tpu.core_type<sc_vector_subcore>, window_params = [{transform_indices = #map}, {transform_indices = #map}, {transform_indices = #map}]} {
    %mul3A = arith.constant 2 : i32
    %mul3A_0 = arith.muli %arg1, %mul3A : i32
    %add3A = arith.addi %mul3A_0, %arg0 : i32
    %mul3A_1 = arith.constant 512 : i32
    %mul3A_2 = arith.muli %add3A, %mul3A_1 : i32
    %mul3A_3 = arith.constant 64 : i32
    %mul3A_4 = arith.muli %mul3A_2, %mul3A_3 : i32
    "tpu.region"() ({
      %run_scoped3A = tpu.sem_alloc : memref<!tpu.dma_semaphore, #tpu.memory_space<semaphore_mem>>
      %dma_start3A = tpu.memref_slice %arg2[%mul3A_4] : memref<1048576xf32, #tpu.memory_space<hbm>> -> memref<32768xf32, #tpu.memory_space<hbm>>
      %dma_start3A_26 = tpu.memref_slice %arg2[%mul3A_4] : memref<1048576xf32, #tpu.memory_space<hbm>> -> memref<32768xf32, #tpu.memory_space<hbm>>
      tpu.enqueue_dma source(%dma_start3A_26 : memref<32768xf32, #tpu.memory_space<hbm>>) target(%arg5 : memref<32768xf32, #tpu.memory_space<vmem>>) target_semaphore(%run_scoped3A : memref<!tpu.dma_semaphore, #tpu.memory_space<semaphore_mem>>)
      %dma_wait3A = tpu.memref_slice %arg2[%mul3A_4] : memref<1048576xf32, #tpu.memory_space<hbm>> -> memref<32768xf32, #tpu.memory_space<hbm>>
      %dma_wait3A_27 = tpu.memref_slice %arg2[%mul3A_4] : memref<1048576xf32, #tpu.memory_space<hbm>> -> memref<32768xf32, #tpu.memory_space<hbm>>
      tpu.wait_dma2 semaphore(%run_scoped3A : memref<!tpu.dma_semaphore, #tpu.memory_space<semaphore_mem>>) src(%dma_wait3A_27 : memref<32768xf32, #tpu.memory_space<hbm>>) dst(%arg5 : memref<32768xf32, #tpu.memory_space<vmem>>)
      tpu.yield
    }) : () -> ()
    %iota3A = tpu.iota {dimensions = array<i32: 0>} : vector<16xi32>
    %add3A_5 = arith.constant 0 : i32
    %add3A_6 = vector.broadcast %add3A_5 : i32 to vector<16xi32>
    %add3A_7 = arith.addi %iota3A, %add3A_6 : vector<16xi32>
    %add3A_8 = arith.constant 16 : i32
    %add3A_9 = vector.broadcast %add3A_8 : i32 to vector<16xi32>
    %add3A_10 = arith.addi %iota3A, %add3A_9 : vector<16xi32>
    %add3A_11 = arith.constant 32 : i32
    %add3A_12 = vector.broadcast %add3A_11 : i32 to vector<16xi32>
    %add3A_13 = arith.addi %iota3A, %add3A_12 : vector<16xi32>
    %add3A_14 = arith.constant 48 : i32
    %add3A_15 = vector.broadcast %add3A_14 : i32 to vector<16xi32>
    %add3A_16 = arith.addi %iota3A, %add3A_15 : vector<16xi32>
    %scan3A = arith.constant 0 : i32
    %scan3A_17 = arith.constant 0 : i32
    %scan3A_18 = arith.constant 512 : i32
    %scan3A_19 = arith.addi %scan3A_17, %scan3A_18 : i32
    %scan3A_20 = arith.constant 1 : i32
    scf.for %scan3A_26 = %scan3A_17 to %scan3A_19 step %scan3A_20  : i32 {
      %mul3A_27 = arith.constant 64 : i32
      %mul3A_28 = arith.muli %scan3A_26, %mul3A_27 : i32
      %add3A_29 = arith.constant 0 : i32
      %add3A_30 = arith.addi %mul3A_28, %add3A_29 : i32
      %get3A = arith.index_cast %add3A_30 : i32 to index
      %get3A_31 = tpu.vector_load %arg5[%get3A] {strides = array<i32>} : memref<32768xf32, #tpu.memory_space<vmem>>, vector<16xf32>,
      %get3A_32 = vector.shape_cast %get3A_31 : vector<16xf32> to vector<16xf32>
      %mul3A_33 = arith.constant 64 : i32
      %mul3A_34 = arith.muli %scan3A_26, %mul3A_33 : i32
      %add3A_35 = arith.constant 16 : i32
      %add3A_36 = arith.addi %mul3A_34, %add3A_35 : i32
      %get3A_37 = arith.index_cast %add3A_36 : i32 to index
      %get3A_38 = tpu.vector_load %arg5[%get3A_37] {strides = array<i32>} : memref<32768xf32, #tpu.memory_space<vmem>>, vector<16xf32>,
      %get3A_39 = vector.shape_cast %get3A_38 : vector<16xf32> to vector<16xf32>
      %mul3A_40 = arith.constant 64 : i32
      %mul3A_41 = arith.muli %scan3A_26, %mul3A_40 : i32
      %add3A_42 = arith.constant 32 : i32
      %add3A_43 = arith.addi %mul3A_41, %add3A_42 : i32
      %get3A_44 = arith.index_cast %add3A_43 : i32 to index
      %get3A_45 = tpu.vector_load %arg5[%get3A_44] {strides = array<i32>} : memref<32768xf32, #tpu.memory_space<vmem>>, vector<16xf32>,
      %get3A_46 = vector.shape_cast %get3A_45 : vector<16xf32> to vector<16xf32>
      %mul3A_47 = arith.constant 64 : i32
      %mul3A_48 = arith.muli %scan3A_26, %mul3A_47 : i32
      %add3A_49 = arith.constant 48 : i32
      %add3A_50 = arith.addi %mul3A_48, %add3A_49 : i32
      %get3A_51 = arith.index_cast %add3A_50 : i32 to index
      %get3A_52 = tpu.vector_load %arg5[%get3A_51] {strides = array<i32>} : memref<32768xf32, #tpu.memory_space<vmem>>, vector<16xf32>,
      %get3A_53 = vector.shape_cast %get3A_52 : vector<16xf32> to vector<16xf32>
      %broadcast_in_dim3A = arith.constant 0.000000e+00 : f32
      %broadcast_in_dim3A_54 = vector.broadcast %broadcast_in_dim3A : f32 to vector<16xf32>
      %broadcast_in_dim3A_55 = arith.constant 0 : i32
      %broadcast_in_dim3A_56 = vector.broadcast %broadcast_in_dim3A_55 : i32 to vector<16xi32>
      %max3A = arith.maximumf %get3A_32, %get3A_39 : vector<16xf32>
      %max3A_57 = arith.maximumf %get3A_46, %get3A_53 : vector<16xf32>
      %max3A_58 = arith.maximumf %max3A, %max3A_57 : vector<16xf32>
      %xor3A = arith.constant 8 : i32
      %xor3A_59 = vector.broadcast %xor3A : i32 to vector<16xi32>
      %xor3A_60 = arith.xori %iota3A, %xor3A_59 : vector<16xi32>
      %broadcast_in_dim3A_61 = vector.shape_cast %xor3A_60 : vector<16xi32> to vector<16x1xi32>
      %gather3A = vector.shape_cast %broadcast_in_dim3A_61 : vector<16x1xi32> to vector<16xi32>
      %gather3A_62 = tpu.dynamic_gather %max3A_58[%gather3A] in [0] : vector<16xf32>, vector<16xi32> -> vector<16xf32>
      %max3A_63 = arith.maximumf %max3A_58, %gather3A_62 : vector<16xf32>
      %xor3A_64 = arith.constant 4 : i32
      %xor3A_65 = vector.broadcast %xor3A_64 : i32 to vector<16xi32>
      %xor3A_66 = arith.xori %iota3A, %xor3A_65 : vector<16xi32>
      %broadcast_in_dim3A_67 = vector.shape_cast %xor3A_66 : vector<16xi32> to vector<16x1xi32>
      %gather3A_68 = vector.shape_cast %broadcast_in_dim3A_67 : vector<16x1xi32> to vector<16xi32>
      %gather3A_69 = tpu.dynamic_gather %max3A_63[%gather3A_68] in [0] : vector<16xf32>, vector<16xi32> -> vector<16xf32>
      %max3A_70 = arith.maximumf %max3A_63, %gather3A_69 : vector<16xf32>
      %xor3A_71 = arith.constant 2 : i32
      %xor3A_72 = vector.broadcast %xor3A_71 : i32 to vector<16xi32>
      %xor3A_73 = arith.xori %iota3A, %xor3A_72 : vector<16xi32>
      %broadcast_in_dim3A_74 = vector.shape_cast %xor3A_73 : vector<16xi32> to vector<16x1xi32>
      %gather3A_75 = vector.shape_cast %broadcast_in_dim3A_74 : vector<16x1xi32> to vector<16xi32>
      %gather3A_76 = tpu.dynamic_gather %max3A_70[%gather3A_75] in [0] : vector<16xf32>, vector<16xi32> -> vector<16xf32>
      %max3A_77 = arith.maximumf %max3A_70, %gather3A_76 : vector<16xf32>
      %xor3A_78 = arith.constant 1 : i32
      %xor3A_79 = vector.broadcast %xor3A_78 : i32 to vector<16xi32>
      %xor3A_80 = arith.xori %iota3A, %xor3A_79 : vector<16xi32>
      %broadcast_in_dim3A_81 = vector.shape_cast %xor3A_80 : vector<16xi32> to vector<16x1xi32>
      %gather3A_82 = vector.shape_cast %broadcast_in_dim3A_81 : vector<16x1xi32> to vector<16xi32>
      %gather3A_83 = tpu.dynamic_gather %max3A_77[%gather3A_82] in [0] : vector<16xf32>, vector<16xi32> -> vector<16xf32>
      %max3A_84 = arith.maximumf %max3A_77, %gather3A_83 : vector<16xf32>
      %eq3A = arith.cmpf oeq, %get3A_32, %max3A_84 : vector<16xf32>
      %jit3A = arith.constant 64 : i32
      %broadcast_in_dim3A_85 = vector.broadcast %jit3A : i32 to vector<16xi32>
      %select_n3A = arith.select %eq3A, %add3A_7, %broadcast_in_dim3A_85 : vector<16xi1>, vector<16xi32>
      %eq3A_86 = arith.cmpf oeq, %get3A_39, %max3A_84 : vector<16xf32>
      %jit3A_87 = arith.constant 64 : i32
      %broadcast_in_dim3A_88 = vector.broadcast %jit3A_87 : i32 to vector<16xi32>
      %select_n3A_89 = arith.select %eq3A_86, %add3A_10, %broadcast_in_dim3A_88 : vector<16xi1>, vector<16xi32>
      %min3A = arith.minsi %select_n3A, %select_n3A_89 : vector<16xi32>
      %eq3A_90 = arith.cmpf oeq, %get3A_46, %max3A_84 : vector<16xf32>
      %jit3A_91 = arith.constant 64 : i32
      %broadcast_in_dim3A_92 = vector.broadcast %jit3A_91 : i32 to vector<16xi32>
      %select_n3A_93 = arith.select %eq3A_90, %add3A_13, %broadcast_in_dim3A_92 : vector<16xi1>, vector<16xi32>
      %eq3A_94 = arith.cmpf oeq, %get3A_53, %max3A_84 : vector<16xf32>
      %jit3A_95 = arith.constant 64 : i32
      %broadcast_in_dim3A_96 = vector.broadcast %jit3A_95 : i32 to vector<16xi32>
      %select_n3A_97 = arith.select %eq3A_94, %add3A_16, %broadcast_in_dim3A_96 : vector<16xi1>, vector<16xi32>
      %min3A_98 = arith.minsi %select_n3A_93, %select_n3A_97 : vector<16xi32>
      %min3A_99 = arith.minsi %min3A, %min3A_98 : vector<16xi32>
      %xor3A_100 = arith.constant 8 : i32
      %xor3A_101 = vector.broadcast %xor3A_100 : i32 to vector<16xi32>
      %xor3A_102 = arith.xori %iota3A, %xor3A_101 : vector<16xi32>
      %broadcast_in_dim3A_103 = vector.shape_cast %xor3A_102 : vector<16xi32> to vector<16x1xi32>
      %gather3A_104 = vector.shape_cast %broadcast_in_dim3A_103 : vector<16x1xi32> to vector<16xi32>
      %gather3A_105 = tpu.dynamic_gather %min3A_99[%gather3A_104] in [0] : vector<16xi32>, vector<16xi32> -> vector<16xi32>
      %min3A_106 = arith.minsi %min3A_99, %gather3A_105 : vector<16xi32>
      %xor3A_107 = arith.constant 4 : i32
      %xor3A_108 = vector.broadcast %xor3A_107 : i32 to vector<16xi32>
      %xor3A_109 = arith.xori %iota3A, %xor3A_108 : vector<16xi32>
      %broadcast_in_dim3A_110 = vector.shape_cast %xor3A_109 : vector<16xi32> to vector<16x1xi32>
      %gather3A_111 = vector.shape_cast %broadcast_in_dim3A_110 : vector<16x1xi32> to vector<16xi32>
      %gather3A_112 = tpu.dynamic_gather %min3A_106[%gather3A_111] in [0] : vector<16xi32>, vector<16xi32> -> vector<16xi32>
      %min3A_113 = arith.minsi %min3A_106, %gather3A_112 : vector<16xi32>
      %xor3A_114 = arith.constant 2 : i32
      %xor3A_115 = vector.broadcast %xor3A_114 : i32 to vector<16xi32>
      %xor3A_116 = arith.xori %iota3A, %xor3A_115 : vector<16xi32>
      %broadcast_in_dim3A_117 = vector.shape_cast %xor3A_116 : vector<16xi32> to vector<16x1xi32>
      %gather3A_118 = vector.shape_cast %broadcast_in_dim3A_117 : vector<16x1xi32> to vector<16xi32>
      %gather3A_119 = tpu.dynamic_gather %min3A_113[%gather3A_118] in [0] : vector<16xi32>, vector<16xi32> -> vector<16xi32>
      %min3A_120 = arith.minsi %min3A_113, %gather3A_119 : vector<16xi32>
      %xor3A_121 = arith.constant 1 : i32
      %xor3A_122 = vector.broadcast %xor3A_121 : i32 to vector<16xi32>
      %xor3A_123 = arith.xori %iota3A, %xor3A_122 : vector<16xi32>
      %broadcast_in_dim3A_124 = vector.shape_cast %xor3A_123 : vector<16xi32> to vector<16x1xi32>
      %gather3A_125 = vector.shape_cast %broadcast_in_dim3A_124 : vector<16x1xi32> to vector<16xi32>
      %gather3A_126 = tpu.dynamic_gather %min3A_120[%gather3A_125] in [0] : vector<16xi32>, vector<16xi32> -> vector<16xi32>
      %min3A_127 = arith.minsi %min3A_120, %gather3A_126 : vector<16xi32>
      %eq3A_128 = arith.constant 0 : i32
      %eq3A_129 = vector.broadcast %eq3A_128 : i32 to vector<16xi32>
      %eq3A_130 = arith.cmpi eq, %iota3A, %eq3A_129 : vector<16xi32>
      %select_n3A_131 = arith.select %eq3A_130, %max3A_84, %broadcast_in_dim3A_54 : vector<16xi1>, vector<16xf32>
      %eq3A_132 = arith.constant 0 : i32
      %eq3A_133 = vector.broadcast %eq3A_132 : i32 to vector<16xi32>
      %eq3A_134 = arith.cmpi eq, %iota3A, %eq3A_133 : vector<16xi32>
      %select_n3A_135 = arith.select %eq3A_134, %min3A_127, %broadcast_in_dim3A_56 : vector<16xi1>, vector<16xi32>
      %eq3A_136 = arith.cmpi eq, %add3A_7, %min3A_127 : vector<16xi32>
      %jit3A_137 = arith.constant -1.000000e+00 : f32
      %broadcast_in_dim3A_138 = vector.broadcast %jit3A_137 : f32 to vector<16xf32>
      %select_n3A_139 = arith.select %eq3A_136, %broadcast_in_dim3A_138, %get3A_32 : vector<16xi1>, vector<16xf32>
      %eq3A_140 = arith.cmpi eq, %add3A_10, %min3A_127 : vector<16xi32>
      %jit3A_141 = arith.constant -1.000000e+00 : f32
      %broadcast_in_dim3A_142 = vector.broadcast %jit3A_141 : f32 to vector<16xf32>
      %select_n3A_143 = arith.select %eq3A_140, %broadcast_in_dim3A_142, %get3A_39 : vector<16xi1>, vector<16xf32>
      %eq3A_144 = arith.cmpi eq, %add3A_13, %min3A_127 : vector<16xi32>
      %jit3A_145 = arith.constant -1.000000e+00 : f32
      %broadcast_in_dim3A_146 = vector.broadcast %jit3A_145 : f32 to vector<16xf32>
      %select_n3A_147 = arith.select %eq3A_144, %broadcast_in_dim3A_146, %get3A_46 : vector<16xi1>, vector<16xf32>
      %eq3A_148 = arith.cmpi eq, %add3A_16, %min3A_127 : vector<16xi32>
      %jit3A_149 = arith.constant -1.000000e+00 : f32
      %broadcast_in_dim3A_150 = vector.broadcast %jit3A_149 : f32 to vector<16xf32>
      %select_n3A_151 = arith.select %eq3A_148, %broadcast_in_dim3A_150, %get3A_53 : vector<16xi1>, vector<16xf32>
      %max3A_152 = arith.maximumf %select_n3A_139, %select_n3A_143 : vector<16xf32>
      %max3A_153 = arith.maximumf %select_n3A_147, %select_n3A_151 : vector<16xf32>
      %max3A_154 = arith.maximumf %max3A_152, %max3A_153 : vector<16xf32>
      %xor3A_155 = arith.constant 8 : i32
      %xor3A_156 = vector.broadcast %xor3A_155 : i32 to vector<16xi32>
      %xor3A_157 = arith.xori %iota3A, %xor3A_156 : vector<16xi32>
      %broadcast_in_dim3A_158 = vector.shape_cast %xor3A_157 : vector<16xi32> to vector<16x1xi32>
      %gather3A_159 = vector.shape_cast %broadcast_in_dim3A_158 : vector<16x1xi32> to vector<16xi32>
      %gather3A_160 = tpu.dynamic_gather %max3A_154[%gather3A_159] in [0] : vector<16xf32>, vector<16xi32> -> vector<16xf32>
      %max3A_161 = arith.maximumf %max3A_154, %gather3A_160 : vector<16xf32>
      %xor3A_162 = arith.constant 4 : i32
      %xor3A_163 = vector.broadcast %xor3A_162 : i32 to vector<16xi32>
      %xor3A_164 = arith.xori %iota3A, %xor3A_163 : vector<16xi32>
      %broadcast_in_dim3A_165 = vector.shape_cast %xor3A_164 : vector<16xi32> to vector<16x1xi32>
      %gather3A_166 = vector.shape_cast %broadcast_in_dim3A_165 : vector<16x1xi32> to vector<16xi32>
      %gather3A_167 = tpu.dynamic_gather %max3A_161[%gather3A_166] in [0] : vector<16xf32>, vector<16xi32> -> vector<16xf32>
      %max3A_168 = arith.maximumf %max3A_161, %gather3A_167 : vector<16xf32>
      %xor3A_169 = arith.constant 2 : i32
      %xor3A_170 = vector.broadcast %xor3A_169 : i32 to vector<16xi32>
      %xor3A_171 = arith.xori %iota3A, %xor3A_170 : vector<16xi32>
      %broadcast_in_dim3A_172 = vector.shape_cast %xor3A_171 : vector<16xi32> to vector<16x1xi32>
      %gather3A_173 = vector.shape_cast %broadcast_in_dim3A_172 : vector<16x1xi32> to vector<16xi32>
      %gather3A_174 = tpu.dynamic_gather %max3A_168[%gather3A_173] in [0] : vector<16xf32>, vector<16xi32> -> vector<16xf32>
      %max3A_175 = arith.maximumf %max3A_168, %gather3A_174 : vector<16xf32>
      %xor3A_176 = arith.constant 1 : i32
      %xor3A_177 = vector.broadcast %xor3A_176 : i32 to vector<16xi32>
      %xor3A_178 = arith.xori %iota3A, %xor3A_177 : vector<16xi32>
      %broadcast_in_dim3A_179 = vector.shape_cast %xor3A_178 : vector<16xi32> to vector<16x1xi32>
      %gather3A_180 = vector.shape_cast %broadcast_in_dim3A_179 : vector<16x1xi32> to vector<16xi32>
      %gather3A_181 = tpu.dynamic_gather %max3A_175[%gather3A_180] in [0] : vector<16xf32>, vector<16xi32> -> vector<16xf32>
      %max3A_182 = arith.maximumf %max3A_175, %gather3A_181 : vector<16xf32>
      %eq3A_183 = arith.cmpf oeq, %select_n3A_139, %max3A_182 : vector<16xf32>
      %jit3A_184 = arith.constant 64 : i32
      %broadcast_in_dim3A_185 = vector.broadcast %jit3A_184 : i32 to vector<16xi32>
      %select_n3A_186 = arith.select %eq3A_183, %add3A_7, %broadcast_in_dim3A_185 : vector<16xi1>, vector<16xi32>
      %eq3A_187 = arith.cmpf oeq, %select_n3A_143, %max3A_182 : vector<16xf32>
      %jit3A_188 = arith.constant 64 : i32
      %broadcast_in_dim3A_189 = vector.broadcast %jit3A_188 : i32 to vector<16xi32>
      %select_n3A_190 = arith.select %eq3A_187, %add3A_10, %broadcast_in_dim3A_189 : vector<16xi1>, vector<16xi32>
      %min3A_191 = arith.minsi %select_n3A_186, %select_n3A_190 : vector<16xi32>
      %eq3A_192 = arith.cmpf oeq, %select_n3A_147, %max3A_182 : vector<16xf32>
      %jit3A_193 = arith.constant 64 : i32
      %broadcast_in_dim3A_194 = vector.broadcast %jit3A_193 : i32 to vector<16xi32>
      %select_n3A_195 = arith.select %eq3A_192, %add3A_13, %broadcast_in_dim3A_194 : vector<16xi1>, vector<16xi32>
      %eq3A_196 = arith.cmpf oeq, %select_n3A_151, %max3A_182 : vector<16xf32>
      %jit3A_197 = arith.constant 64 : i32
      %broadcast_in_dim3A_198 = vector.broadcast %jit3A_197 : i32 to vector<16xi32>
      %select_n3A_199 = arith.select %eq3A_196, %add3A_16, %broadcast_in_dim3A_198 : vector<16xi1>, vector<16xi32>
      %min3A_200 = arith.minsi %select_n3A_195, %select_n3A_199 : vector<16xi32>
      %min3A_201 = arith.minsi %min3A_191, %min3A_200 : vector<16xi32>
      %xor3A_202 = arith.constant 8 : i32
      %xor3A_203 = vector.broadcast %xor3A_202 : i32 to vector<16xi32>
      %xor3A_204 = arith.xori %iota3A, %xor3A_203 : vector<16xi32>
      %broadcast_in_dim3A_205 = vector.shape_cast %xor3A_204 : vector<16xi32> to vector<16x1xi32>
      %gather3A_206 = vector.shape_cast %broadcast_in_dim3A_205 : vector<16x1xi32> to vector<16xi32>
      %gather3A_207 = tpu.dynamic_gather %min3A_201[%gather3A_206] in [0] : vector<16xi32>, vector<16xi32> -> vector<16xi32>
      %min3A_208 = arith.minsi %min3A_201, %gather3A_207 : vector<16xi32>
      %xor3A_209 = arith.constant 4 : i32
      %xor3A_210 = vector.broadcast %xor3A_209 : i32 to vector<16xi32>
      %xor3A_211 = arith.xori %iota3A, %xor3A_210 : vector<16xi32>
      %broadcast_in_dim3A_212 = vector.shape_cast %xor3A_211 : vector<16xi32> to vector<16x1xi32>
      %gather3A_213 = vector.shape_cast %broadcast_in_dim3A_212 : vector<16x1xi32> to vector<16xi32>
      %gather3A_214 = tpu.dynamic_gather %min3A_208[%gather3A_213] in [0] : vector<16xi32>, vector<16xi32> -> vector<16xi32>
      %min3A_215 = arith.minsi %min3A_208, %gather3A_214 : vector<16xi32>
      %xor3A_216 = arith.constant 2 : i32
      %xor3A_217 = vector.broadcast %xor3A_216 : i32 to vector<16xi32>
      %xor3A_218 = arith.xori %iota3A, %xor3A_217 : vector<16xi32>
      %broadcast_in_dim3A_219 = vector.shape_cast %xor3A_218 : vector<16xi32> to vector<16x1xi32>
      %gather3A_220 = vector.shape_cast %broadcast_in_dim3A_219 : vector<16x1xi32> to vector<16xi32>
      %gather3A_221 = tpu.dynamic_gather %min3A_215[%gather3A_220] in [0] : vector<16xi32>, vector<16xi32> -> vector<16xi32>
      %min3A_222 = arith.minsi %min3A_215, %gather3A_221 : vector<16xi32>
      %xor3A_223 = arith.constant 1 : i32
      %xor3A_224 = vector.broadcast %xor3A_223 : i32 to vector<16xi32>
      %xor3A_225 = arith.xori %iota3A, %xor3A_224 : vector<16xi32>
      %broadcast_in_dim3A_226 = vector.shape_cast %xor3A_225 : vector<16xi32> to vector<16x1xi32>
      %gather3A_227 = vector.shape_cast %broadcast_in_dim3A_226 : vector<16x1xi32> to vector<16xi32>
      %gather3A_228 = tpu.dynamic_gather %min3A_222[%gather3A_227] in [0] : vector<16xi32>, vector<16xi32> -> vector<16xi32>
      %min3A_229 = arith.minsi %min3A_222, %gather3A_228 : vector<16xi32>
      %eq3A_230 = arith.constant 1 : i32
      %eq3A_231 = vector.broadcast %eq3A_230 : i32 to vector<16xi32>
      %eq3A_232 = arith.cmpi eq, %iota3A, %eq3A_231 : vector<16xi32>
      %select_n3A_233 = arith.select %eq3A_232, %max3A_182, %select_n3A_131 : vector<16xi1>, vector<16xf32>
      %eq3A_234 = arith.constant 1 : i32
      %eq3A_235 = vector.broadcast %eq3A_234 : i32 to vector<16xi32>
      %eq3A_236 = arith.cmpi eq, %iota3A, %eq3A_235 : vector<16xi32>
      %select_n3A_237 = arith.select %eq3A_236, %min3A_229, %select_n3A_135 : vector<16xi1>, vector<16xi32>
      %eq3A_238 = arith.cmpi eq, %add3A_7, %min3A_229 : vector<16xi32>
      %jit3A_239 = arith.constant -1.000000e+00 : f32
      %broadcast_in_dim3A_240 = vector.broadcast %jit3A_239 : f32 to vector<16xf32>
      %select_n3A_241 = arith.select %eq3A_238, %broadcast_in_dim3A_240, %select_n3A_139 : vector<16xi1>, vector<16xf32>
      %eq3A_242 = arith.cmpi eq, %add3A_10, %min3A_229 : vector<16xi32>
      %jit3A_243 = arith.constant -1.000000e+00 : f32
      %broadcast_in_dim3A_244 = vector.broadcast %jit3A_243 : f32 to vector<16xf32>
      %select_n3A_245 = arith.select %eq3A_242, %broadcast_in_dim3A_244, %select_n3A_143 : vector<16xi1>, vector<16xf32>
      %eq3A_246 = arith.cmpi eq, %add3A_13, %min3A_229 : vector<16xi32>
      %jit3A_247 = arith.constant -1.000000e+00 : f32
      %broadcast_in_dim3A_248 = vector.broadcast %jit3A_247 : f32 to vector<16xf32>
      %select_n3A_249 = arith.select %eq3A_246, %broadcast_in_dim3A_248, %select_n3A_147 : vector<16xi1>, vector<16xf32>
      %eq3A_250 = arith.cmpi eq, %add3A_16, %min3A_229 : vector<16xi32>
      %jit3A_251 = arith.constant -1.000000e+00 : f32
      %broadcast_in_dim3A_252 = vector.broadcast %jit3A_251 : f32 to vector<16xf32>
      %select_n3A_253 = arith.select %eq3A_250, %broadcast_in_dim3A_252, %select_n3A_151 : vector<16xi1>, vector<16xf32>
      %max3A_254 = arith.maximumf %select_n3A_241, %select_n3A_245 : vector<16xf32>
      %max3A_255 = arith.maximumf %select_n3A_249, %select_n3A_253 : vector<16xf32>
      %max3A_256 = arith.maximumf %max3A_254, %max3A_255 : vector<16xf32>
      %xor3A_257 = arith.constant 8 : i32
      %xor3A_258 = vector.broadcast %xor3A_257 : i32 to vector<16xi32>
      %xor3A_259 = arith.xori %iota3A, %xor3A_258 : vector<16xi32>
      %broadcast_in_dim3A_260 = vector.shape_cast %xor3A_259 : vector<16xi32> to vector<16x1xi32>
      %gather3A_261 = vector.shape_cast %broadcast_in_dim3A_260 : vector<16x1xi32> to vector<16xi32>
      %gather3A_262 = tpu.dynamic_gather %max3A_256[%gather3A_261] in [0] : vector<16xf32>, vector<16xi32> -> vector<16xf32>
      %max3A_263 = arith.maximumf %max3A_256, %gather3A_262 : vector<16xf32>
      %xor3A_264 = arith.constant 4 : i32
      %xor3A_265 = vector.broadcast %xor3A_264 : i32 to vector<16xi32>
      %xor3A_266 = arith.xori %iota3A, %xor3A_265 : vector<16xi32>
      %broadcast_in_dim3A_267 = vector.shape_cast %xor3A_266 : vector<16xi32> to vector<16x1xi32>
      %gather3A_268 = vector.shape_cast %broadcast_in_dim3A_267 : vector<16x1xi32> to vector<16xi32>
      %gather3A_269 = tpu.dynamic_gather %max3A_263[%gather3A_268] in [0] : vector<16xf32>, vector<16xi32> -> vector<16xf32>
      %max3A_270 = arith.maximumf %max3A_263, %gather3A_269 : vector<16xf32>
      %xor3A_271 = arith.constant 2 : i32
      %xor3A_272 = vector.broadcast %xor3A_271 : i32 to vector<16xi32>
      %xor3A_273 = arith.xori %iota3A, %xor3A_272 : vector<16xi32>
      %broadcast_in_dim3A_274 = vector.shape_cast %xor3A_273 : vector<16xi32> to vector<16x1xi32>
      %gather3A_275 = vector.shape_cast %broadcast_in_dim3A_274 : vector<16x1xi32> to vector<16xi32>
      %gather3A_276 = tpu.dynamic_gather %max3A_270[%gather3A_275] in [0] : vector<16xf32>, vector<16xi32> -> vector<16xf32>
      %max3A_277 = arith.maximumf %max3A_270, %gather3A_276 : vector<16xf32>
      %xor3A_278 = arith.constant 1 : i32
      %xor3A_279 = vector.broadcast %xor3A_278 : i32 to vector<16xi32>
      %xor3A_280 = arith.xori %iota3A, %xor3A_279 : vector<16xi32>
      %broadcast_in_dim3A_281 = vector.shape_cast %xor3A_280 : vector<16xi32> to vector<16x1xi32>
      %gather3A_282 = vector.shape_cast %broadcast_in_dim3A_281 : vector<16x1xi32> to vector<16xi32>
      %gather3A_283 = tpu.dynamic_gather %max3A_277[%gather3A_282] in [0] : vector<16xf32>, vector<16xi32> -> vector<16xf32>
      %max3A_284 = arith.maximumf %max3A_277, %gather3A_283 : vector<16xf32>
      %eq3A_285 = arith.cmpf oeq, %select_n3A_241, %max3A_284 : vector<16xf32>
      %jit3A_286 = arith.constant 64 : i32
      %broadcast_in_dim3A_287 = vector.broadcast %jit3A_286 : i32 to vector<16xi32>
      %select_n3A_288 = arith.select %eq3A_285, %add3A_7, %broadcast_in_dim3A_287 : vector<16xi1>, vector<16xi32>
      %eq3A_289 = arith.cmpf oeq, %select_n3A_245, %max3A_284 : vector<16xf32>
      %jit3A_290 = arith.constant 64 : i32
      %broadcast_in_dim3A_291 = vector.broadcast %jit3A_290 : i32 to vector<16xi32>
      %select_n3A_292 = arith.select %eq3A_289, %add3A_10, %broadcast_in_dim3A_291 : vector<16xi1>, vector<16xi32>
      %min3A_293 = arith.minsi %select_n3A_288, %select_n3A_292 : vector<16xi32>
      %eq3A_294 = arith.cmpf oeq, %select_n3A_249, %max3A_284 : vector<16xf32>
      %jit3A_295 = arith.constant 64 : i32
      %broadcast_in_dim3A_296 = vector.broadcast %jit3A_295 : i32 to vector<16xi32>
      %select_n3A_297 = arith.select %eq3A_294, %add3A_13, %broadcast_in_dim3A_296 : vector<16xi1>, vector<16xi32>
      %eq3A_298 = arith.cmpf oeq, %select_n3A_253, %max3A_284 : vector<16xf32>
      %jit3A_299 = arith.constant 64 : i32
      %broadcast_in_dim3A_300 = vector.broadcast %jit3A_299 : i32 to vector<16xi32>
      %select_n3A_301 = arith.select %eq3A_298, %add3A_16, %broadcast_in_dim3A_300 : vector<16xi1>, vector<16xi32>
      %min3A_302 = arith.minsi %select_n3A_297, %select_n3A_301 : vector<16xi32>
      %min3A_303 = arith.minsi %min3A_293, %min3A_302 : vector<16xi32>
      %xor3A_304 = arith.constant 8 : i32
      %xor3A_305 = vector.broadcast %xor3A_304 : i32 to vector<16xi32>
      %xor3A_306 = arith.xori %iota3A, %xor3A_305 : vector<16xi32>
      %broadcast_in_dim3A_307 = vector.shape_cast %xor3A_306 : vector<16xi32> to vector<16x1xi32>
      %gather3A_308 = vector.shape_cast %broadcast_in_dim3A_307 : vector<16x1xi32> to vector<16xi32>
      %gather3A_309 = tpu.dynamic_gather %min3A_303[%gather3A_308] in [0] : vector<16xi32>, vector<16xi32> -> vector<16xi32>
      %min3A_310 = arith.minsi %min3A_303, %gather3A_309 : vector<16xi32>
      %xor3A_311 = arith.constant 4 : i32
      %xor3A_312 = vector.broadcast %xor3A_311 : i32 to vector<16xi32>
      %xor3A_313 = arith.xori %iota3A, %xor3A_312 : vector<16xi32>
      %broadcast_in_dim3A_314 = vector.shape_cast %xor3A_313 : vector<16xi32> to vector<16x1xi32>
      %gather3A_315 = vector.shape_cast %broadcast_in_dim3A_314 : vector<16x1xi32> to vector<16xi32>
      %gather3A_316 = tpu.dynamic_gather %min3A_310[%gather3A_315] in [0] : vector<16xi32>, vector<16xi32> -> vector<16xi32>
      %min3A_317 = arith.minsi %min3A_310, %gather3A_316 : vector<16xi32>
      %xor3A_318 = arith.constant 2 : i32
      %xor3A_319 = vector.broadcast %xor3A_318 : i32 to vector<16xi32>
      %xor3A_320 = arith.xori %iota3A, %xor3A_319 : vector<16xi32>
      %broadcast_in_dim3A_321 = vector.shape_cast %xor3A_320 : vector<16xi32> to vector<16x1xi32>
      %gather3A_322 = vector.shape_cast %broadcast_in_dim3A_321 : vector<16x1xi32> to vector<16xi32>
      %gather3A_323 = tpu.dynamic_gather %min3A_317[%gather3A_322] in [0] : vector<16xi32>, vector<16xi32> -> vector<16xi32>
      %min3A_324 = arith.minsi %min3A_317, %gather3A_323 : vector<16xi32>
      %xor3A_325 = arith.constant 1 : i32
      %xor3A_326 = vector.broadcast %xor3A_325 : i32 to vector<16xi32>
      %xor3A_327 = arith.xori %iota3A, %xor3A_326 : vector<16xi32>
      %broadcast_in_dim3A_328 = vector.shape_cast %xor3A_327 : vector<16xi32> to vector<16x1xi32>
      %gather3A_329 = vector.shape_cast %broadcast_in_dim3A_328 : vector<16x1xi32> to vector<16xi32>
      %gather3A_330 = tpu.dynamic_gather %min3A_324[%gather3A_329] in [0] : vector<16xi32>, vector<16xi32> -> vector<16xi32>
      %min3A_331 = arith.minsi %min3A_324, %gather3A_330 : vector<16xi32>
      %eq3A_332 = arith.constant 2 : i32
      %eq3A_333 = vector.broadcast %eq3A_332 : i32 to vector<16xi32>
      %eq3A_334 = arith.cmpi eq, %iota3A, %eq3A_333 : vector<16xi32>
      %select_n3A_335 = arith.select %eq3A_334, %max3A_284, %select_n3A_233 : vector<16xi1>, vector<16xf32>
      %eq3A_336 = arith.constant 2 : i32
      %eq3A_337 = vector.broadcast %eq3A_336 : i32 to vector<16xi32>
      %eq3A_338 = arith.cmpi eq, %iota3A, %eq3A_337 : vector<16xi32>
      %select_n3A_339 = arith.select %eq3A_338, %min3A_331, %select_n3A_237 : vector<16xi1>, vector<16xi32>
      %eq3A_340 = arith.cmpi eq, %add3A_7, %min3A_331 : vector<16xi32>
      %jit3A_341 = arith.constant -1.000000e+00 : f32
      %broadcast_in_dim3A_342 = vector.broadcast %jit3A_341 : f32 to vector<16xf32>
      %select_n3A_343 = arith.select %eq3A_340, %broadcast_in_dim3A_342, %select_n3A_241 : vector<16xi1>, vector<16xf32>
      %eq3A_344 = arith.cmpi eq, %add3A_10, %min3A_331 : vector<16xi32>
      %jit3A_345 = arith.constant -1.000000e+00 : f32
      %broadcast_in_dim3A_346 = vector.broadcast %jit3A_345 : f32 to vector<16xf32>
      %select_n3A_347 = arith.select %eq3A_344, %broadcast_in_dim3A_346, %select_n3A_245 : vector<16xi1>, vector<16xf32>
      %eq3A_348 = arith.cmpi eq, %add3A_13, %min3A_331 : vector<16xi32>
      %jit3A_349 = arith.constant -1.000000e+00 : f32
      %broadcast_in_dim3A_350 = vector.broadcast %jit3A_349 : f32 to vector<16xf32>
      %select_n3A_351 = arith.select %eq3A_348, %broadcast_in_dim3A_350, %select_n3A_249 : vector<16xi1>, vector<16xf32>
      %eq3A_352 = arith.cmpi eq, %add3A_16, %min3A_331 : vector<16xi32>
      %jit3A_353 = arith.constant -1.000000e+00 : f32
      %broadcast_in_dim3A_354 = vector.broadcast %jit3A_353 : f32 to vector<16xf32>
      %select_n3A_355 = arith.select %eq3A_352, %broadcast_in_dim3A_354, %select_n3A_253 : vector<16xi1>, vector<16xf32>
      %max3A_356 = arith.maximumf %select_n3A_343, %select_n3A_347 : vector<16xf32>
      %max3A_357 = arith.maximumf %select_n3A_351, %select_n3A_355 : vector<16xf32>
      %max3A_358 = arith.maximumf %max3A_356, %max3A_357 : vector<16xf32>
      %xor3A_359 = arith.constant 8 : i32
      %xor3A_360 = vector.broadcast %xor3A_359 : i32 to vector<16xi32>
      %xor3A_361 = arith.xori %iota3A, %xor3A_360 : vector<16xi32>
      %broadcast_in_dim3A_362 = vector.shape_cast %xor3A_361 : vector<16xi32> to vector<16x1xi32>
      %gather3A_363 = vector.shape_cast %broadcast_in_dim3A_362 : vector<16x1xi32> to vector<16xi32>
      %gather3A_364 = tpu.dynamic_gather %max3A_358[%gather3A_363] in [0] : vector<16xf32>, vector<16xi32> -> vector<16xf32>
      %max3A_365 = arith.maximumf %max3A_358, %gather3A_364 : vector<16xf32>
      %xor3A_366 = arith.constant 4 : i32
      %xor3A_367 = vector.broadcast %xor3A_366 : i32 to vector<16xi32>
      %xor3A_368 = arith.xori %iota3A, %xor3A_367 : vector<16xi32>
      %broadcast_in_dim3A_369 = vector.shape_cast %xor3A_368 : vector<16xi32> to vector<16x1xi32>
      %gather3A_370 = vector.shape_cast %broadcast_in_dim3A_369 : vector<16x1xi32> to vector<16xi32>
      %gather3A_371 = tpu.dynamic_gather %max3A_365[%gather3A_370] in [0] : vector<16xf32>, vector<16xi32> -> vector<16xf32>
      %max3A_372 = arith.maximumf %max3A_365, %gather3A_371 : vector<16xf32>
      %xor3A_373 = arith.constant 2 : i32
      %xor3A_374 = vector.broadcast %xor3A_373 : i32 to vector<16xi32>
      %xor3A_375 = arith.xori %iota3A, %xor3A_374 : vector<16xi32>
      %broadcast_in_dim3A_376 = vector.shape_cast %xor3A_375 : vector<16xi32> to vector<16x1xi32>
      %gather3A_377 = vector.shape_cast %broadcast_in_dim3A_376 : vector<16x1xi32> to vector<16xi32>
      %gather3A_378 = tpu.dynamic_gather %max3A_372[%gather3A_377] in [0] : vector<16xf32>, vector<16xi32> -> vector<16xf32>
      %max3A_379 = arith.maximumf %max3A_372, %gather3A_378 : vector<16xf32>
      %xor3A_380 = arith.constant 1 : i32
      %xor3A_381 = vector.broadcast %xor3A_380 : i32 to vector<16xi32>
      %xor3A_382 = arith.xori %iota3A, %xor3A_381 : vector<16xi32>
      %broadcast_in_dim3A_383 = vector.shape_cast %xor3A_382 : vector<16xi32> to vector<16x1xi32>
      %gather3A_384 = vector.shape_cast %broadcast_in_dim3A_383 : vector<16x1xi32> to vector<16xi32>
      %gather3A_385 = tpu.dynamic_gather %max3A_379[%gather3A_384] in [0] : vector<16xf32>, vector<16xi32> -> vector<16xf32>
      %max3A_386 = arith.maximumf %max3A_379, %gather3A_385 : vector<16xf32>
      %eq3A_387 = arith.cmpf oeq, %select_n3A_343, %max3A_386 : vector<16xf32>
      %jit3A_388 = arith.constant 64 : i32
      %broadcast_in_dim3A_389 = vector.broadcast %jit3A_388 : i32 to vector<16xi32>
      %select_n3A_390 = arith.select %eq3A_387, %add3A_7, %broadcast_in_dim3A_389 : vector<16xi1>, vector<16xi32>
      %eq3A_391 = arith.cmpf oeq, %select_n3A_347, %max3A_386 : vector<16xf32>
      %jit3A_392 = arith.constant 64 : i32
      %broadcast_in_dim3A_393 = vector.broadcast %jit3A_392 : i32 to vector<16xi32>
      %select_n3A_394 = arith.select %eq3A_391, %add3A_10, %broadcast_in_dim3A_393 : vector<16xi1>, vector<16xi32>
      %min3A_395 = arith.minsi %select_n3A_390, %select_n3A_394 : vector<16xi32>
      %eq3A_396 = arith.cmpf oeq, %select_n3A_351, %max3A_386 : vector<16xf32>
      %jit3A_397 = arith.constant 64 : i32
      %broadcast_in_dim3A_398 = vector.broadcast %jit3A_397 : i32 to vector<16xi32>
      %select_n3A_399 = arith.select %eq3A_396, %add3A_13, %broadcast_in_dim3A_398 : vector<16xi1>, vector<16xi32>
      %eq3A_400 = arith.cmpf oeq, %select_n3A_355, %max3A_386 : vector<16xf32>
      %jit3A_401 = arith.constant 64 : i32
      %broadcast_in_dim3A_402 = vector.broadcast %jit3A_401 : i32 to vector<16xi32>
      %select_n3A_403 = arith.select %eq3A_400, %add3A_16, %broadcast_in_dim3A_402 : vector<16xi1>, vector<16xi32>
      %min3A_404 = arith.minsi %select_n3A_399, %select_n3A_403 : vector<16xi32>
      %min3A_405 = arith.minsi %min3A_395, %min3A_404 : vector<16xi32>
      %xor3A_406 = arith.constant 8 : i32
      %xor3A_407 = vector.broadcast %xor3A_406 : i32 to vector<16xi32>
      %xor3A_408 = arith.xori %iota3A, %xor3A_407 : vector<16xi32>
      %broadcast_in_dim3A_409 = vector.shape_cast %xor3A_408 : vector<16xi32> to vector<16x1xi32>
      %gather3A_410 = vector.shape_cast %broadcast_in_dim3A_409 : vector<16x1xi32> to vector<16xi32>
      %gather3A_411 = tpu.dynamic_gather %min3A_405[%gather3A_410] in [0] : vector<16xi32>, vector<16xi32> -> vector<16xi32>
      %min3A_412 = arith.minsi %min3A_405, %gather3A_411 : vector<16xi32>
      %xor3A_413 = arith.constant 4 : i32
      %xor3A_414 = vector.broadcast %xor3A_413 : i32 to vector<16xi32>
      %xor3A_415 = arith.xori %iota3A, %xor3A_414 : vector<16xi32>
      %broadcast_in_dim3A_416 = vector.shape_cast %xor3A_415 : vector<16xi32> to vector<16x1xi32>
      %gather3A_417 = vector.shape_cast %broadcast_in_dim3A_416 : vector<16x1xi32> to vector<16xi32>
      %gather3A_418 = tpu.dynamic_gather %min3A_412[%gather3A_417] in [0] : vector<16xi32>, vector<16xi32> -> vector<16xi32>
      %min3A_419 = arith.minsi %min3A_412, %gather3A_418 : vector<16xi32>
      %xor3A_420 = arith.constant 2 : i32
      %xor3A_421 = vector.broadcast %xor3A_420 : i32 to vector<16xi32>
      %xor3A_422 = arith.xori %iota3A, %xor3A_421 : vector<16xi32>
      %broadcast_in_dim3A_423 = vector.shape_cast %xor3A_422 : vector<16xi32> to vector<16x1xi32>
      %gather3A_424 = vector.shape_cast %broadcast_in_dim3A_423 : vector<16x1xi32> to vector<16xi32>
      %gather3A_425 = tpu.dynamic_gather %min3A_419[%gather3A_424] in [0] : vector<16xi32>, vector<16xi32> -> vector<16xi32>
      %min3A_426 = arith.minsi %min3A_419, %gather3A_425 : vector<16xi32>
      %xor3A_427 = arith.constant 1 : i32
      %xor3A_428 = vector.broadcast %xor3A_427 : i32 to vector<16xi32>
      %xor3A_429 = arith.xori %iota3A, %xor3A_428 : vector<16xi32>
      %broadcast_in_dim3A_430 = vector.shape_cast %xor3A_429 : vector<16xi32> to vector<16x1xi32>
      %gather3A_431 = vector.shape_cast %broadcast_in_dim3A_430 : vector<16x1xi32> to vector<16xi32>
      %gather3A_432 = tpu.dynamic_gather %min3A_426[%gather3A_431] in [0] : vector<16xi32>, vector<16xi32> -> vector<16xi32>
      %min3A_433 = arith.minsi %min3A_426, %gather3A_432 : vector<16xi32>
      %eq3A_434 = arith.constant 3 : i32
      %eq3A_435 = vector.broadcast %eq3A_434 : i32 to vector<16xi32>
      %eq3A_436 = arith.cmpi eq, %iota3A, %eq3A_435 : vector<16xi32>
      %select_n3A_437 = arith.select %eq3A_436, %max3A_386, %select_n3A_335 : vector<16xi1>, vector<16xf32>
      %eq3A_438 = arith.constant 3 : i32
      %eq3A_439 = vector.broadcast %eq3A_438 : i32 to vector<16xi32>
      %eq3A_440 = arith.cmpi eq, %iota3A, %eq3A_439 : vector<16xi32>
      %select_n3A_441 = arith.select %eq3A_440, %min3A_433, %select_n3A_339 : vector<16xi1>, vector<16xi32>
      %eq3A_442 = arith.cmpi eq, %add3A_7, %min3A_433 : vector<16xi32>
      %jit3A_443 = arith.constant -1.000000e+00 : f32
      %broadcast_in_dim3A_444 = vector.broadcast %jit3A_443 : f32 to vector<16xf32>
      %select_n3A_445 = arith.select %eq3A_442, %broadcast_in_dim3A_444, %select_n3A_343 : vector<16xi1>, vector<16xf32>
      %eq3A_446 = arith.cmpi eq, %add3A_10, %min3A_433 : vector<16xi32>
      %jit3A_447 = arith.constant -1.000000e+00 : f32
      %broadcast_in_dim3A_448 = vector.broadcast %jit3A_447 : f32 to vector<16xf32>
      %select_n3A_449 = arith.select %eq3A_446, %broadcast_in_dim3A_448, %select_n3A_347 : vector<16xi1>, vector<16xf32>
      %eq3A_450 = arith.cmpi eq, %add3A_13, %min3A_433 : vector<16xi32>
      %jit3A_451 = arith.constant -1.000000e+00 : f32
      %broadcast_in_dim3A_452 = vector.broadcast %jit3A_451 : f32 to vector<16xf32>
      %select_n3A_453 = arith.select %eq3A_450, %broadcast_in_dim3A_452, %select_n3A_351 : vector<16xi1>, vector<16xf32>
      %eq3A_454 = arith.cmpi eq, %add3A_16, %min3A_433 : vector<16xi32>
      %jit3A_455 = arith.constant -1.000000e+00 : f32
      %broadcast_in_dim3A_456 = vector.broadcast %jit3A_455 : f32 to vector<16xf32>
      %select_n3A_457 = arith.select %eq3A_454, %broadcast_in_dim3A_456, %select_n3A_355 : vector<16xi1>, vector<16xf32>
      %max3A_458 = arith.maximumf %select_n3A_445, %select_n3A_449 : vector<16xf32>
      %max3A_459 = arith.maximumf %select_n3A_453, %select_n3A_457 : vector<16xf32>
      %max3A_460 = arith.maximumf %max3A_458, %max3A_459 : vector<16xf32>
      %xor3A_461 = arith.constant 8 : i32
      %xor3A_462 = vector.broadcast %xor3A_461 : i32 to vector<16xi32>
      %xor3A_463 = arith.xori %iota3A, %xor3A_462 : vector<16xi32>
      %broadcast_in_dim3A_464 = vector.shape_cast %xor3A_463 : vector<16xi32> to vector<16x1xi32>
      %gather3A_465 = vector.shape_cast %broadcast_in_dim3A_464 : vector<16x1xi32> to vector<16xi32>
      %gather3A_466 = tpu.dynamic_gather %max3A_460[%gather3A_465] in [0] : vector<16xf32>, vector<16xi32> -> vector<16xf32>
      %max3A_467 = arith.maximumf %max3A_460, %gather3A_466 : vector<16xf32>
      %xor3A_468 = arith.constant 4 : i32
      %xor3A_469 = vector.broadcast %xor3A_468 : i32 to vector<16xi32>
      %xor3A_470 = arith.xori %iota3A, %xor3A_469 : vector<16xi32>
      %broadcast_in_dim3A_471 = vector.shape_cast %xor3A_470 : vector<16xi32> to vector<16x1xi32>
      %gather3A_472 = vector.shape_cast %broadcast_in_dim3A_471 : vector<16x1xi32> to vector<16xi32>
      %gather3A_473 = tpu.dynamic_gather %max3A_467[%gather3A_472] in [0] : vector<16xf32>, vector<16xi32> -> vector<16xf32>
      %max3A_474 = arith.maximumf %max3A_467, %gather3A_473 : vector<16xf32>
      %xor3A_475 = arith.constant 2 : i32
      %xor3A_476 = vector.broadcast %xor3A_475 : i32 to vector<16xi32>
      %xor3A_477 = arith.xori %iota3A, %xor3A_476 : vector<16xi32>
      %broadcast_in_dim3A_478 = vector.shape_cast %xor3A_477 : vector<16xi32> to vector<16x1xi32>
      %gather3A_479 = vector.shape_cast %broadcast_in_dim3A_478 : vector<16x1xi32> to vector<16xi32>
      %gather3A_480 = tpu.dynamic_gather %max3A_474[%gather3A_479] in [0] : vector<16xf32>, vector<16xi32> -> vector<16xf32>
      %max3A_481 = arith.maximumf %max3A_474, %gather3A_480 : vector<16xf32>
      %xor3A_482 = arith.constant 1 : i32
      %xor3A_483 = vector.broadcast %xor3A_482 : i32 to vector<16xi32>
      %xor3A_484 = arith.xori %iota3A, %xor3A_483 : vector<16xi32>
      %broadcast_in_dim3A_485 = vector.shape_cast %xor3A_484 : vector<16xi32> to vector<16x1xi32>
      %gather3A_486 = vector.shape_cast %broadcast_in_dim3A_485 : vector<16x1xi32> to vector<16xi32>
      %gather3A_487 = tpu.dynamic_gather %max3A_481[%gather3A_486] in [0] : vector<16xf32>, vector<16xi32> -> vector<16xf32>
      %max3A_488 = arith.maximumf %max3A_481, %gather3A_487 : vector<16xf32>
      %eq3A_489 = arith.cmpf oeq, %select_n3A_445, %max3A_488 : vector<16xf32>
      %jit3A_490 = arith.constant 64 : i32
      %broadcast_in_dim3A_491 = vector.broadcast %jit3A_490 : i32 to vector<16xi32>
      %select_n3A_492 = arith.select %eq3A_489, %add3A_7, %broadcast_in_dim3A_491 : vector<16xi1>, vector<16xi32>
      %eq3A_493 = arith.cmpf oeq, %select_n3A_449, %max3A_488 : vector<16xf32>
      %jit3A_494 = arith.constant 64 : i32
      %broadcast_in_dim3A_495 = vector.broadcast %jit3A_494 : i32 to vector<16xi32>
      %select_n3A_496 = arith.select %eq3A_493, %add3A_10, %broadcast_in_dim3A_495 : vector<16xi1>, vector<16xi32>
      %min3A_497 = arith.minsi %select_n3A_492, %select_n3A_496 : vector<16xi32>
      %eq3A_498 = arith.cmpf oeq, %select_n3A_453, %max3A_488 : vector<16xf32>
      %jit3A_499 = arith.constant 64 : i32
      %broadcast_in_dim3A_500 = vector.broadcast %jit3A_499 : i32 to vector<16xi32>
      %select_n3A_501 = arith.select %eq3A_498, %add3A_13, %broadcast_in_dim3A_500 : vector<16xi1>, vector<16xi32>
      %eq3A_502 = arith.cmpf oeq, %select_n3A_457, %max3A_488 : vector<16xf32>
      %jit3A_503 = arith.constant 64 : i32
      %broadcast_in_dim3A_504 = vector.broadcast %jit3A_503 : i32 to vector<16xi32>
      %select_n3A_505 = arith.select %eq3A_502, %add3A_16, %broadcast_in_dim3A_504 : vector<16xi1>, vector<16xi32>
      %min3A_506 = arith.minsi %select_n3A_501, %select_n3A_505 : vector<16xi32>
      %min3A_507 = arith.minsi %min3A_497, %min3A_506 : vector<16xi32>
      %xor3A_508 = arith.constant 8 : i32
      %xor3A_509 = vector.broadcast %xor3A_508 : i32 to vector<16xi32>
      %xor3A_510 = arith.xori %iota3A, %xor3A_509 : vector<16xi32>
      %broadcast_in_dim3A_511 = vector.shape_cast %xor3A_510 : vector<16xi32> to vector<16x1xi32>
      %gather3A_512 = vector.shape_cast %broadcast_in_dim3A_511 : vector<16x1xi32> to vector<16xi32>
      %gather3A_513 = tpu.dynamic_gather %min3A_507[%gather3A_512] in [0] : vector<16xi32>, vector<16xi32> -> vector<16xi32>
      %min3A_514 = arith.minsi %min3A_507, %gather3A_513 : vector<16xi32>
      %xor3A_515 = arith.constant 4 : i32
      %xor3A_516 = vector.broadcast %xor3A_515 : i32 to vector<16xi32>
      %xor3A_517 = arith.xori %iota3A, %xor3A_516 : vector<16xi32>
      %broadcast_in_dim3A_518 = vector.shape_cast %xor3A_517 : vector<16xi32> to vector<16x1xi32>
      %gather3A_519 = vector.shape_cast %broadcast_in_dim3A_518 : vector<16x1xi32> to vector<16xi32>
      %gather3A_520 = tpu.dynamic_gather %min3A_514[%gather3A_519] in [0] : vector<16xi32>, vector<16xi32> -> vector<16xi32>
      %min3A_521 = arith.minsi %min3A_514, %gather3A_520 : vector<16xi32>
      %xor3A_522 = arith.constant 2 : i32
      %xor3A_523 = vector.broadcast %xor3A_522 : i32 to vector<16xi32>
      %xor3A_524 = arith.xori %iota3A, %xor3A_523 : vector<16xi32>
      %broadcast_in_dim3A_525 = vector.shape_cast %xor3A_524 : vector<16xi32> to vector<16x1xi32>
      %gather3A_526 = vector.shape_cast %broadcast_in_dim3A_525 : vector<16x1xi32> to vector<16xi32>
      %gather3A_527 = tpu.dynamic_gather %min3A_521[%gather3A_526] in [0] : vector<16xi32>, vector<16xi32> -> vector<16xi32>
      %min3A_528 = arith.minsi %min3A_521, %gather3A_527 : vector<16xi32>
      %xor3A_529 = arith.constant 1 : i32
      %xor3A_530 = vector.broadcast %xor3A_529 : i32 to vector<16xi32>
      %xor3A_531 = arith.xori %iota3A, %xor3A_530 : vector<16xi32>
      %broadcast_in_dim3A_532 = vector.shape_cast %xor3A_531 : vector<16xi32> to vector<16x1xi32>
      %gather3A_533 = vector.shape_cast %broadcast_in_dim3A_532 : vector<16x1xi32> to vector<16xi32>
      %gather3A_534 = tpu.dynamic_gather %min3A_528[%gather3A_533] in [0] : vector<16xi32>, vector<16xi32> -> vector<16xi32>
      %min3A_535 = arith.minsi %min3A_528, %gather3A_534 : vector<16xi32>
      %eq3A_536 = arith.constant 4 : i32
      %eq3A_537 = vector.broadcast %eq3A_536 : i32 to vector<16xi32>
      %eq3A_538 = arith.cmpi eq, %iota3A, %eq3A_537 : vector<16xi32>
      %select_n3A_539 = arith.select %eq3A_538, %max3A_488, %select_n3A_437 : vector<16xi1>, vector<16xf32>
      %eq3A_540 = arith.constant 4 : i32
      %eq3A_541 = vector.broadcast %eq3A_540 : i32 to vector<16xi32>
      %eq3A_542 = arith.cmpi eq, %iota3A, %eq3A_541 : vector<16xi32>
      %select_n3A_543 = arith.select %eq3A_542, %min3A_535, %select_n3A_441 : vector<16xi1>, vector<16xi32>
      %eq3A_544 = arith.cmpi eq, %add3A_7, %min3A_535 : vector<16xi32>
      %jit3A_545 = arith.constant -1.000000e+00 : f32
      %broadcast_in_dim3A_546 = vector.broadcast %jit3A_545 : f32 to vector<16xf32>
      %select_n3A_547 = arith.select %eq3A_544, %broadcast_in_dim3A_546, %select_n3A_445 : vector<16xi1>, vector<16xf32>
      %eq3A_548 = arith.cmpi eq, %add3A_10, %min3A_535 : vector<16xi32>
      %jit3A_549 = arith.constant -1.000000e+00 : f32
      %broadcast_in_dim3A_550 = vector.broadcast %jit3A_549 : f32 to vector<16xf32>
      %select_n3A_551 = arith.select %eq3A_548, %broadcast_in_dim3A_550, %select_n3A_449 : vector<16xi1>, vector<16xf32>
      %eq3A_552 = arith.cmpi eq, %add3A_13, %min3A_535 : vector<16xi32>
      %jit3A_553 = arith.constant -1.000000e+00 : f32
      %broadcast_in_dim3A_554 = vector.broadcast %jit3A_553 : f32 to vector<16xf32>
      %select_n3A_555 = arith.select %eq3A_552, %broadcast_in_dim3A_554, %select_n3A_453 : vector<16xi1>, vector<16xf32>
      %eq3A_556 = arith.cmpi eq, %add3A_16, %min3A_535 : vector<16xi32>
      %jit3A_557 = arith.constant -1.000000e+00 : f32
      %broadcast_in_dim3A_558 = vector.broadcast %jit3A_557 : f32 to vector<16xf32>
      %select_n3A_559 = arith.select %eq3A_556, %broadcast_in_dim3A_558, %select_n3A_457 : vector<16xi1>, vector<16xf32>
      %max3A_560 = arith.maximumf %select_n3A_547, %select_n3A_551 : vector<16xf32>
      %max3A_561 = arith.maximumf %select_n3A_555, %select_n3A_559 : vector<16xf32>
      %max3A_562 = arith.maximumf %max3A_560, %max3A_561 : vector<16xf32>
      %xor3A_563 = arith.constant 8 : i32
      %xor3A_564 = vector.broadcast %xor3A_563 : i32 to vector<16xi32>
      %xor3A_565 = arith.xori %iota3A, %xor3A_564 : vector<16xi32>
      %broadcast_in_dim3A_566 = vector.shape_cast %xor3A_565 : vector<16xi32> to vector<16x1xi32>
      %gather3A_567 = vector.shape_cast %broadcast_in_dim3A_566 : vector<16x1xi32> to vector<16xi32>
      %gather3A_568 = tpu.dynamic_gather %max3A_562[%gather3A_567] in [0] : vector<16xf32>, vector<16xi32> -> vector<16xf32>
      %max3A_569 = arith.maximumf %max3A_562, %gather3A_568 : vector<16xf32>
      %xor3A_570 = arith.constant 4 : i32
      %xor3A_571 = vector.broadcast %xor3A_570 : i32 to vector<16xi32>
      %xor3A_572 = arith.xori %iota3A, %xor3A_571 : vector<16xi32>
      %broadcast_in_dim3A_573 = vector.shape_cast %xor3A_572 : vector<16xi32> to vector<16x1xi32>
      %gather3A_574 = vector.shape_cast %broadcast_in_dim3A_573 : vector<16x1xi32> to vector<16xi32>
      %gather3A_575 = tpu.dynamic_gather %max3A_569[%gather3A_574] in [0] : vector<16xf32>, vector<16xi32> -> vector<16xf32>
      %max3A_576 = arith.maximumf %max3A_569, %gather3A_575 : vector<16xf32>
      %xor3A_577 = arith.constant 2 : i32
      %xor3A_578 = vector.broadcast %xor3A_577 : i32 to vector<16xi32>
      %xor3A_579 = arith.xori %iota3A, %xor3A_578 : vector<16xi32>
      %broadcast_in_dim3A_580 = vector.shape_cast %xor3A_579 : vector<16xi32> to vector<16x1xi32>
      %gather3A_581 = vector.shape_cast %broadcast_in_dim3A_580 : vector<16x1xi32> to vector<16xi32>
      %gather3A_582 = tpu.dynamic_gather %max3A_576[%gather3A_581] in [0] : vector<16xf32>, vector<16xi32> -> vector<16xf32>
      %max3A_583 = arith.maximumf %max3A_576, %gather3A_582 : vector<16xf32>
      %xor3A_584 = arith.constant 1 : i32
      %xor3A_585 = vector.broadcast %xor3A_584 : i32 to vector<16xi32>
      %xor3A_586 = arith.xori %iota3A, %xor3A_585 : vector<16xi32>
      %broadcast_in_dim3A_587 = vector.shape_cast %xor3A_586 : vector<16xi32> to vector<16x1xi32>
      %gather3A_588 = vector.shape_cast %broadcast_in_dim3A_587 : vector<16x1xi32> to vector<16xi32>
      %gather3A_589 = tpu.dynamic_gather %max3A_583[%gather3A_588] in [0] : vector<16xf32>, vector<16xi32> -> vector<16xf32>
      %max3A_590 = arith.maximumf %max3A_583, %gather3A_589 : vector<16xf32>
      %eq3A_591 = arith.cmpf oeq, %select_n3A_547, %max3A_590 : vector<16xf32>
      %jit3A_592 = arith.constant 64 : i32
      %broadcast_in_dim3A_593 = vector.broadcast %jit3A_592 : i32 to vector<16xi32>
      %select_n3A_594 = arith.select %eq3A_591, %add3A_7, %broadcast_in_dim3A_593 : vector<16xi1>, vector<16xi32>
      %eq3A_595 = arith.cmpf oeq, %select_n3A_551, %max3A_590 : vector<16xf32>
      %jit3A_596 = arith.constant 64 : i32
      %broadcast_in_dim3A_597 = vector.broadcast %jit3A_596 : i32 to vector<16xi32>
      %select_n3A_598 = arith.select %eq3A_595, %add3A_10, %broadcast_in_dim3A_597 : vector<16xi1>, vector<16xi32>
      %min3A_599 = arith.minsi %select_n3A_594, %select_n3A_598 : vector<16xi32>
      %eq3A_600 = arith.cmpf oeq, %select_n3A_555, %max3A_590 : vector<16xf32>
      %jit3A_601 = arith.constant 64 : i32
      %broadcast_in_dim3A_602 = vector.broadcast %jit3A_601 : i32 to vector<16xi32>
      %select_n3A_603 = arith.select %eq3A_600, %add3A_13, %broadcast_in_dim3A_602 : vector<16xi1>, vector<16xi32>
      %eq3A_604 = arith.cmpf oeq, %select_n3A_559, %max3A_590 : vector<16xf32>
      %jit3A_605 = arith.constant 64 : i32
      %broadcast_in_dim3A_606 = vector.broadcast %jit3A_605 : i32 to vector<16xi32>
      %select_n3A_607 = arith.select %eq3A_604, %add3A_16, %broadcast_in_dim3A_606 : vector<16xi1>, vector<16xi32>
      %min3A_608 = arith.minsi %select_n3A_603, %select_n3A_607 : vector<16xi32>
      %min3A_609 = arith.minsi %min3A_599, %min3A_608 : vector<16xi32>
      %xor3A_610 = arith.constant 8 : i32
      %xor3A_611 = vector.broadcast %xor3A_610 : i32 to vector<16xi32>
      %xor3A_612 = arith.xori %iota3A, %xor3A_611 : vector<16xi32>
      %broadcast_in_dim3A_613 = vector.shape_cast %xor3A_612 : vector<16xi32> to vector<16x1xi32>
      %gather3A_614 = vector.shape_cast %broadcast_in_dim3A_613 : vector<16x1xi32> to vector<16xi32>
      %gather3A_615 = tpu.dynamic_gather %min3A_609[%gather3A_614] in [0] : vector<16xi32>, vector<16xi32> -> vector<16xi32>
      %min3A_616 = arith.minsi %min3A_609, %gather3A_615 : vector<16xi32>
      %xor3A_617 = arith.constant 4 : i32
      %xor3A_618 = vector.broadcast %xor3A_617 : i32 to vector<16xi32>
      %xor3A_619 = arith.xori %iota3A, %xor3A_618 : vector<16xi32>
      %broadcast_in_dim3A_620 = vector.shape_cast %xor3A_619 : vector<16xi32> to vector<16x1xi32>
      %gather3A_621 = vector.shape_cast %broadcast_in_dim3A_620 : vector<16x1xi32> to vector<16xi32>
      %gather3A_622 = tpu.dynamic_gather %min3A_616[%gather3A_621] in [0] : vector<16xi32>, vector<16xi32> -> vector<16xi32>
      %min3A_623 = arith.minsi %min3A_616, %gather3A_622 : vector<16xi32>
      %xor3A_624 = arith.constant 2 : i32
      %xor3A_625 = vector.broadcast %xor3A_624 : i32 to vector<16xi32>
      %xor3A_626 = arith.xori %iota3A, %xor3A_625 : vector<16xi32>
      %broadcast_in_dim3A_627 = vector.shape_cast %xor3A_626 : vector<16xi32> to vector<16x1xi32>
      %gather3A_628 = vector.shape_cast %broadcast_in_dim3A_627 : vector<16x1xi32> to vector<16xi32>
      %gather3A_629 = tpu.dynamic_gather %min3A_623[%gather3A_628] in [0] : vector<16xi32>, vector<16xi32> -> vector<16xi32>
      %min3A_630 = arith.minsi %min3A_623, %gather3A_629 : vector<16xi32>
      %xor3A_631 = arith.constant 1 : i32
      %xor3A_632 = vector.broadcast %xor3A_631 : i32 to vector<16xi32>
      %xor3A_633 = arith.xori %iota3A, %xor3A_632 : vector<16xi32>
      %broadcast_in_dim3A_634 = vector.shape_cast %xor3A_633 : vector<16xi32> to vector<16x1xi32>
      %gather3A_635 = vector.shape_cast %broadcast_in_dim3A_634 : vector<16x1xi32> to vector<16xi32>
      %gather3A_636 = tpu.dynamic_gather %min3A_630[%gather3A_635] in [0] : vector<16xi32>, vector<16xi32> -> vector<16xi32>
      %min3A_637 = arith.minsi %min3A_630, %gather3A_636 : vector<16xi32>
      %eq3A_638 = arith.constant 5 : i32
      %eq3A_639 = vector.broadcast %eq3A_638 : i32 to vector<16xi32>
      %eq3A_640 = arith.cmpi eq, %iota3A, %eq3A_639 : vector<16xi32>
      %select_n3A_641 = arith.select %eq3A_640, %max3A_590, %select_n3A_539 : vector<16xi1>, vector<16xf32>
      %eq3A_642 = arith.constant 5 : i32
      %eq3A_643 = vector.broadcast %eq3A_642 : i32 to vector<16xi32>
      %eq3A_644 = arith.cmpi eq, %iota3A, %eq3A_643 : vector<16xi32>
      %select_n3A_645 = arith.select %eq3A_644, %min3A_637, %select_n3A_543 : vector<16xi1>, vector<16xi32>
      %eq3A_646 = arith.cmpi eq, %add3A_7, %min3A_637 : vector<16xi32>
      %jit3A_647 = arith.constant -1.000000e+00 : f32
      %broadcast_in_dim3A_648 = vector.broadcast %jit3A_647 : f32 to vector<16xf32>
      %select_n3A_649 = arith.select %eq3A_646, %broadcast_in_dim3A_648, %select_n3A_547 : vector<16xi1>, vector<16xf32>
      %eq3A_650 = arith.cmpi eq, %add3A_10, %min3A_637 : vector<16xi32>
      %jit3A_651 = arith.constant -1.000000e+00 : f32
      %broadcast_in_dim3A_652 = vector.broadcast %jit3A_651 : f32 to vector<16xf32>
      %select_n3A_653 = arith.select %eq3A_650, %broadcast_in_dim3A_652, %select_n3A_551 : vector<16xi1>, vector<16xf32>
      %eq3A_654 = arith.cmpi eq, %add3A_13, %min3A_637 : vector<16xi32>
      %jit3A_655 = arith.constant -1.000000e+00 : f32
      %broadcast_in_dim3A_656 = vector.broadcast %jit3A_655 : f32 to vector<16xf32>
      %select_n3A_657 = arith.select %eq3A_654, %broadcast_in_dim3A_656, %select_n3A_555 : vector<16xi1>, vector<16xf32>
      %eq3A_658 = arith.cmpi eq, %add3A_16, %min3A_637 : vector<16xi32>
      %jit3A_659 = arith.constant -1.000000e+00 : f32
      %broadcast_in_dim3A_660 = vector.broadcast %jit3A_659 : f32 to vector<16xf32>
      %select_n3A_661 = arith.select %eq3A_658, %broadcast_in_dim3A_660, %select_n3A_559 : vector<16xi1>, vector<16xf32>
      %max3A_662 = arith.maximumf %select_n3A_649, %select_n3A_653 : vector<16xf32>
      %max3A_663 = arith.maximumf %select_n3A_657, %select_n3A_661 : vector<16xf32>
      %max3A_664 = arith.maximumf %max3A_662, %max3A_663 : vector<16xf32>
      %xor3A_665 = arith.constant 8 : i32
      %xor3A_666 = vector.broadcast %xor3A_665 : i32 to vector<16xi32>
      %xor3A_667 = arith.xori %iota3A, %xor3A_666 : vector<16xi32>
      %broadcast_in_dim3A_668 = vector.shape_cast %xor3A_667 : vector<16xi32> to vector<16x1xi32>
      %gather3A_669 = vector.shape_cast %broadcast_in_dim3A_668 : vector<16x1xi32> to vector<16xi32>
      %gather3A_670 = tpu.dynamic_gather %max3A_664[%gather3A_669] in [0] : vector<16xf32>, vector<16xi32> -> vector<16xf32>
      %max3A_671 = arith.maximumf %max3A_664, %gather3A_670 : vector<16xf32>
      %xor3A_672 = arith.constant 4 : i32
      %xor3A_673 = vector.broadcast %xor3A_672 : i32 to vector<16xi32>
      %xor3A_674 = arith.xori %iota3A, %xor3A_673 : vector<16xi32>
      %broadcast_in_dim3A_675 = vector.shape_cast %xor3A_674 : vector<16xi32> to vector<16x1xi32>
      %gather3A_676 = vector.shape_cast %broadcast_in_dim3A_675 : vector<16x1xi32> to vector<16xi32>
      %gather3A_677 = tpu.dynamic_gather %max3A_671[%gather3A_676] in [0] : vector<16xf32>, vector<16xi32> -> vector<16xf32>
      %max3A_678 = arith.maximumf %max3A_671, %gather3A_677 : vector<16xf32>
      %xor3A_679 = arith.constant 2 : i32
      %xor3A_680 = vector.broadcast %xor3A_679 : i32 to vector<16xi32>
      %xor3A_681 = arith.xori %iota3A, %xor3A_680 : vector<16xi32>
      %broadcast_in_dim3A_682 = vector.shape_cast %xor3A_681 : vector<16xi32> to vector<16x1xi32>
      %gather3A_683 = vector.shape_cast %broadcast_in_dim3A_682 : vector<16x1xi32> to vector<16xi32>
      %gather3A_684 = tpu.dynamic_gather %max3A_678[%gather3A_683] in [0] : vector<16xf32>, vector<16xi32> -> vector<16xf32>
      %max3A_685 = arith.maximumf %max3A_678, %gather3A_684 : vector<16xf32>
      %xor3A_686 = arith.constant 1 : i32
      %xor3A_687 = vector.broadcast %xor3A_686 : i32 to vector<16xi32>
      %xor3A_688 = arith.xori %iota3A, %xor3A_687 : vector<16xi32>
      %broadcast_in_dim3A_689 = vector.shape_cast %xor3A_688 : vector<16xi32> to vector<16x1xi32>
      %gather3A_690 = vector.shape_cast %broadcast_in_dim3A_689 : vector<16x1xi32> to vector<16xi32>
      %gather3A_691 = tpu.dynamic_gather %max3A_685[%gather3A_690] in [0] : vector<16xf32>, vector<16xi32> -> vector<16xf32>
      %max3A_692 = arith.maximumf %max3A_685, %gather3A_691 : vector<16xf32>
      %eq3A_693 = arith.cmpf oeq, %select_n3A_649, %max3A_692 : vector<16xf32>
      %jit3A_694 = arith.constant 64 : i32
      %broadcast_in_dim3A_695 = vector.broadcast %jit3A_694 : i32 to vector<16xi32>
      %select_n3A_696 = arith.select %eq3A_693, %add3A_7, %broadcast_in_dim3A_695 : vector<16xi1>, vector<16xi32>
      %eq3A_697 = arith.cmpf oeq, %select_n3A_653, %max3A_692 : vector<16xf32>
      %jit3A_698 = arith.constant 64 : i32
      %broadcast_in_dim3A_699 = vector.broadcast %jit3A_698 : i32 to vector<16xi32>
      %select_n3A_700 = arith.select %eq3A_697, %add3A_10, %broadcast_in_dim3A_699 : vector<16xi1>, vector<16xi32>
      %min3A_701 = arith.minsi %select_n3A_696, %select_n3A_700 : vector<16xi32>
      %eq3A_702 = arith.cmpf oeq, %select_n3A_657, %max3A_692 : vector<16xf32>
      %jit3A_703 = arith.constant 64 : i32
      %broadcast_in_dim3A_704 = vector.broadcast %jit3A_703 : i32 to vector<16xi32>
      %select_n3A_705 = arith.select %eq3A_702, %add3A_13, %broadcast_in_dim3A_704 : vector<16xi1>, vector<16xi32>
      %eq3A_706 = arith.cmpf oeq, %select_n3A_661, %max3A_692 : vector<16xf32>
      %jit3A_707 = arith.constant 64 : i32
      %broadcast_in_dim3A_708 = vector.broadcast %jit3A_707 : i32 to vector<16xi32>
      %select_n3A_709 = arith.select %eq3A_706, %add3A_16, %broadcast_in_dim3A_708 : vector<16xi1>, vector<16xi32>
      %min3A_710 = arith.minsi %select_n3A_705, %select_n3A_709 : vector<16xi32>
      %min3A_711 = arith.minsi %min3A_701, %min3A_710 : vector<16xi32>
      %xor3A_712 = arith.constant 8 : i32
      %xor3A_713 = vector.broadcast %xor3A_712 : i32 to vector<16xi32>
      %xor3A_714 = arith.xori %iota3A, %xor3A_713 : vector<16xi32>
      %broadcast_in_dim3A_715 = vector.shape_cast %xor3A_714 : vector<16xi32> to vector<16x1xi32>
      %gather3A_716 = vector.shape_cast %broadcast_in_dim3A_715 : vector<16x1xi32> to vector<16xi32>
      %gather3A_717 = tpu.dynamic_gather %min3A_711[%gather3A_716] in [0] : vector<16xi32>, vector<16xi32> -> vector<16xi32>
      %min3A_718 = arith.minsi %min3A_711, %gather3A_717 : vector<16xi32>
      %xor3A_719 = arith.constant 4 : i32
      %xor3A_720 = vector.broadcast %xor3A_719 : i32 to vector<16xi32>
      %xor3A_721 = arith.xori %iota3A, %xor3A_720 : vector<16xi32>
      %broadcast_in_dim3A_722 = vector.shape_cast %xor3A_721 : vector<16xi32> to vector<16x1xi32>
      %gather3A_723 = vector.shape_cast %broadcast_in_dim3A_722 : vector<16x1xi32> to vector<16xi32>
      %gather3A_724 = tpu.dynamic_gather %min3A_718[%gather3A_723] in [0] : vector<16xi32>, vector<16xi32> -> vector<16xi32>
      %min3A_725 = arith.minsi %min3A_718, %gather3A_724 : vector<16xi32>
      %xor3A_726 = arith.constant 2 : i32
      %xor3A_727 = vector.broadcast %xor3A_726 : i32 to vector<16xi32>
      %xor3A_728 = arith.xori %iota3A, %xor3A_727 : vector<16xi32>
      %broadcast_in_dim3A_729 = vector.shape_cast %xor3A_728 : vector<16xi32> to vector<16x1xi32>
      %gather3A_730 = vector.shape_cast %broadcast_in_dim3A_729 : vector<16x1xi32> to vector<16xi32>
      %gather3A_731 = tpu.dynamic_gather %min3A_725[%gather3A_730] in [0] : vector<16xi32>, vector<16xi32> -> vector<16xi32>
      %min3A_732 = arith.minsi %min3A_725, %gather3A_731 : vector<16xi32>
      %xor3A_733 = arith.constant 1 : i32
      %xor3A_734 = vector.broadcast %xor3A_733 : i32 to vector<16xi32>
      %xor3A_735 = arith.xori %iota3A, %xor3A_734 : vector<16xi32>
      %broadcast_in_dim3A_736 = vector.shape_cast %xor3A_735 : vector<16xi32> to vector<16x1xi32>
      %gather3A_737 = vector.shape_cast %broadcast_in_dim3A_736 : vector<16x1xi32> to vector<16xi32>
      %gather3A_738 = tpu.dynamic_gather %min3A_732[%gather3A_737] in [0] : vector<16xi32>, vector<16xi32> -> vector<16xi32>
      %min3A_739 = arith.minsi %min3A_732, %gather3A_738 : vector<16xi32>
      %eq3A_740 = arith.constant 6 : i32
      %eq3A_741 = vector.broadcast %eq3A_740 : i32 to vector<16xi32>
      %eq3A_742 = arith.cmpi eq, %iota3A, %eq3A_741 : vector<16xi32>
      %select_n3A_743 = arith.select %eq3A_742, %max3A_692, %select_n3A_641 : vector<16xi1>, vector<16xf32>
      %eq3A_744 = arith.constant 6 : i32
      %eq3A_745 = vector.broadcast %eq3A_744 : i32 to vector<16xi32>
      %eq3A_746 = arith.cmpi eq, %iota3A, %eq3A_745 : vector<16xi32>
      %select_n3A_747 = arith.select %eq3A_746, %min3A_739, %select_n3A_645 : vector<16xi1>, vector<16xi32>
      %eq3A_748 = arith.cmpi eq, %add3A_7, %min3A_739 : vector<16xi32>
      %jit3A_749 = arith.constant -1.000000e+00 : f32
      %broadcast_in_dim3A_750 = vector.broadcast %jit3A_749 : f32 to vector<16xf32>
      %select_n3A_751 = arith.select %eq3A_748, %broadcast_in_dim3A_750, %select_n3A_649 : vector<16xi1>, vector<16xf32>
      %eq3A_752 = arith.cmpi eq, %add3A_10, %min3A_739 : vector<16xi32>
      %jit3A_753 = arith.constant -1.000000e+00 : f32
      %broadcast_in_dim3A_754 = vector.broadcast %jit3A_753 : f32 to vector<16xf32>
      %select_n3A_755 = arith.select %eq3A_752, %broadcast_in_dim3A_754, %select_n3A_653 : vector<16xi1>, vector<16xf32>
      %eq3A_756 = arith.cmpi eq, %add3A_13, %min3A_739 : vector<16xi32>
      %jit3A_757 = arith.constant -1.000000e+00 : f32
      %broadcast_in_dim3A_758 = vector.broadcast %jit3A_757 : f32 to vector<16xf32>
      %select_n3A_759 = arith.select %eq3A_756, %broadcast_in_dim3A_758, %select_n3A_657 : vector<16xi1>, vector<16xf32>
      %eq3A_760 = arith.cmpi eq, %add3A_16, %min3A_739 : vector<16xi32>
      %jit3A_761 = arith.constant -1.000000e+00 : f32
      %broadcast_in_dim3A_762 = vector.broadcast %jit3A_761 : f32 to vector<16xf32>
      %select_n3A_763 = arith.select %eq3A_760, %broadcast_in_dim3A_762, %select_n3A_661 : vector<16xi1>, vector<16xf32>
      %max3A_764 = arith.maximumf %select_n3A_751, %select_n3A_755 : vector<16xf32>
      %max3A_765 = arith.maximumf %select_n3A_759, %select_n3A_763 : vector<16xf32>
      %max3A_766 = arith.maximumf %max3A_764, %max3A_765 : vector<16xf32>
      %xor3A_767 = arith.constant 8 : i32
      %xor3A_768 = vector.broadcast %xor3A_767 : i32 to vector<16xi32>
      %xor3A_769 = arith.xori %iota3A, %xor3A_768 : vector<16xi32>
      %broadcast_in_dim3A_770 = vector.shape_cast %xor3A_769 : vector<16xi32> to vector<16x1xi32>
      %gather3A_771 = vector.shape_cast %broadcast_in_dim3A_770 : vector<16x1xi32> to vector<16xi32>
      %gather3A_772 = tpu.dynamic_gather %max3A_766[%gather3A_771] in [0] : vector<16xf32>, vector<16xi32> -> vector<16xf32>
      %max3A_773 = arith.maximumf %max3A_766, %gather3A_772 : vector<16xf32>
      %xor3A_774 = arith.constant 4 : i32
      %xor3A_775 = vector.broadcast %xor3A_774 : i32 to vector<16xi32>
      %xor3A_776 = arith.xori %iota3A, %xor3A_775 : vector<16xi32>
      %broadcast_in_dim3A_777 = vector.shape_cast %xor3A_776 : vector<16xi32> to vector<16x1xi32>
      %gather3A_778 = vector.shape_cast %broadcast_in_dim3A_777 : vector<16x1xi32> to vector<16xi32>
      %gather3A_779 = tpu.dynamic_gather %max3A_773[%gather3A_778] in [0] : vector<16xf32>, vector<16xi32> -> vector<16xf32>
      %max3A_780 = arith.maximumf %max3A_773, %gather3A_779 : vector<16xf32>
      %xor3A_781 = arith.constant 2 : i32
      %xor3A_782 = vector.broadcast %xor3A_781 : i32 to vector<16xi32>
      %xor3A_783 = arith.xori %iota3A, %xor3A_782 : vector<16xi32>
      %broadcast_in_dim3A_784 = vector.shape_cast %xor3A_783 : vector<16xi32> to vector<16x1xi32>
      %gather3A_785 = vector.shape_cast %broadcast_in_dim3A_784 : vector<16x1xi32> to vector<16xi32>
      %gather3A_786 = tpu.dynamic_gather %max3A_780[%gather3A_785] in [0] : vector<16xf32>, vector<16xi32> -> vector<16xf32>
      %max3A_787 = arith.maximumf %max3A_780, %gather3A_786 : vector<16xf32>
      %xor3A_788 = arith.constant 1 : i32
      %xor3A_789 = vector.broadcast %xor3A_788 : i32 to vector<16xi32>
      %xor3A_790 = arith.xori %iota3A, %xor3A_789 : vector<16xi32>
      %broadcast_in_dim3A_791 = vector.shape_cast %xor3A_790 : vector<16xi32> to vector<16x1xi32>
      %gather3A_792 = vector.shape_cast %broadcast_in_dim3A_791 : vector<16x1xi32> to vector<16xi32>
      %gather3A_793 = tpu.dynamic_gather %max3A_787[%gather3A_792] in [0] : vector<16xf32>, vector<16xi32> -> vector<16xf32>
      %max3A_794 = arith.maximumf %max3A_787, %gather3A_793 : vector<16xf32>
      %eq3A_795 = arith.cmpf oeq, %select_n3A_751, %max3A_794 : vector<16xf32>
      %jit3A_796 = arith.constant 64 : i32
      %broadcast_in_dim3A_797 = vector.broadcast %jit3A_796 : i32 to vector<16xi32>
      %select_n3A_798 = arith.select %eq3A_795, %add3A_7, %broadcast_in_dim3A_797 : vector<16xi1>, vector<16xi32>
      %eq3A_799 = arith.cmpf oeq, %select_n3A_755, %max3A_794 : vector<16xf32>
      %jit3A_800 = arith.constant 64 : i32
      %broadcast_in_dim3A_801 = vector.broadcast %jit3A_800 : i32 to vector<16xi32>
      %select_n3A_802 = arith.select %eq3A_799, %add3A_10, %broadcast_in_dim3A_801 : vector<16xi1>, vector<16xi32>
      %min3A_803 = arith.minsi %select_n3A_798, %select_n3A_802 : vector<16xi32>
      %eq3A_804 = arith.cmpf oeq, %select_n3A_759, %max3A_794 : vector<16xf32>
      %jit3A_805 = arith.constant 64 : i32
      %broadcast_in_dim3A_806 = vector.broadcast %jit3A_805 : i32 to vector<16xi32>
      %select_n3A_807 = arith.select %eq3A_804, %add3A_13, %broadcast_in_dim3A_806 : vector<16xi1>, vector<16xi32>
      %eq3A_808 = arith.cmpf oeq, %select_n3A_763, %max3A_794 : vector<16xf32>
      %jit3A_809 = arith.constant 64 : i32
      %broadcast_in_dim3A_810 = vector.broadcast %jit3A_809 : i32 to vector<16xi32>
      %select_n3A_811 = arith.select %eq3A_808, %add3A_16, %broadcast_in_dim3A_810 : vector<16xi1>, vector<16xi32>
      %min3A_812 = arith.minsi %select_n3A_807, %select_n3A_811 : vector<16xi32>
      %min3A_813 = arith.minsi %min3A_803, %min3A_812 : vector<16xi32>
      %xor3A_814 = arith.constant 8 : i32
      %xor3A_815 = vector.broadcast %xor3A_814 : i32 to vector<16xi32>
      %xor3A_816 = arith.xori %iota3A, %xor3A_815 : vector<16xi32>
      %broadcast_in_dim3A_817 = vector.shape_cast %xor3A_816 : vector<16xi32> to vector<16x1xi32>
      %gather3A_818 = vector.shape_cast %broadcast_in_dim3A_817 : vector<16x1xi32> to vector<16xi32>
      %gather3A_819 = tpu.dynamic_gather %min3A_813[%gather3A_818] in [0] : vector<16xi32>, vector<16xi32> -> vector<16xi32>
      %min3A_820 = arith.minsi %min3A_813, %gather3A_819 : vector<16xi32>
      %xor3A_821 = arith.constant 4 : i32
      %xor3A_822 = vector.broadcast %xor3A_821 : i32 to vector<16xi32>
      %xor3A_823 = arith.xori %iota3A, %xor3A_822 : vector<16xi32>
      %broadcast_in_dim3A_824 = vector.shape_cast %xor3A_823 : vector<16xi32> to vector<16x1xi32>
      %gather3A_825 = vector.shape_cast %broadcast_in_dim3A_824 : vector<16x1xi32> to vector<16xi32>
      %gather3A_826 = tpu.dynamic_gather %min3A_820[%gather3A_825] in [0] : vector<16xi32>, vector<16xi32> -> vector<16xi32>
      %min3A_827 = arith.minsi %min3A_820, %gather3A_826 : vector<16xi32>
      %xor3A_828 = arith.constant 2 : i32
      %xor3A_829 = vector.broadcast %xor3A_828 : i32 to vector<16xi32>
      %xor3A_830 = arith.xori %iota3A, %xor3A_829 : vector<16xi32>
      %broadcast_in_dim3A_831 = vector.shape_cast %xor3A_830 : vector<16xi32> to vector<16x1xi32>
      %gather3A_832 = vector.shape_cast %broadcast_in_dim3A_831 : vector<16x1xi32> to vector<16xi32>
      %gather3A_833 = tpu.dynamic_gather %min3A_827[%gather3A_832] in [0] : vector<16xi32>, vector<16xi32> -> vector<16xi32>
      %min3A_834 = arith.minsi %min3A_827, %gather3A_833 : vector<16xi32>
      %xor3A_835 = arith.constant 1 : i32
      %xor3A_836 = vector.broadcast %xor3A_835 : i32 to vector<16xi32>
      %xor3A_837 = arith.xori %iota3A, %xor3A_836 : vector<16xi32>
      %broadcast_in_dim3A_838 = vector.shape_cast %xor3A_837 : vector<16xi32> to vector<16x1xi32>
      %gather3A_839 = vector.shape_cast %broadcast_in_dim3A_838 : vector<16x1xi32> to vector<16xi32>
      %gather3A_840 = tpu.dynamic_gather %min3A_834[%gather3A_839] in [0] : vector<16xi32>, vector<16xi32> -> vector<16xi32>
      %min3A_841 = arith.minsi %min3A_834, %gather3A_840 : vector<16xi32>
      %eq3A_842 = arith.constant 7 : i32
      %eq3A_843 = vector.broadcast %eq3A_842 : i32 to vector<16xi32>
      %eq3A_844 = arith.cmpi eq, %iota3A, %eq3A_843 : vector<16xi32>
      %select_n3A_845 = arith.select %eq3A_844, %max3A_794, %select_n3A_743 : vector<16xi1>, vector<16xf32>
      %eq3A_846 = arith.constant 7 : i32
      %eq3A_847 = vector.broadcast %eq3A_846 : i32 to vector<16xi32>
      %eq3A_848 = arith.cmpi eq, %iota3A, %eq3A_847 : vector<16xi32>
      %select_n3A_849 = arith.select %eq3A_848, %min3A_841, %select_n3A_747 : vector<16xi1>, vector<16xi32>
      %eq3A_850 = arith.cmpi eq, %add3A_7, %min3A_841 : vector<16xi32>
      %jit3A_851 = arith.constant -1.000000e+00 : f32
      %broadcast_in_dim3A_852 = vector.broadcast %jit3A_851 : f32 to vector<16xf32>
      %select_n3A_853 = arith.select %eq3A_850, %broadcast_in_dim3A_852, %select_n3A_751 : vector<16xi1>, vector<16xf32>
      %eq3A_854 = arith.cmpi eq, %add3A_10, %min3A_841 : vector<16xi32>
      %jit3A_855 = arith.constant -1.000000e+00 : f32
      %broadcast_in_dim3A_856 = vector.broadcast %jit3A_855 : f32 to vector<16xf32>
      %select_n3A_857 = arith.select %eq3A_854, %broadcast_in_dim3A_856, %select_n3A_755 : vector<16xi1>, vector<16xf32>
      %eq3A_858 = arith.cmpi eq, %add3A_13, %min3A_841 : vector<16xi32>
      %jit3A_859 = arith.constant -1.000000e+00 : f32
      %broadcast_in_dim3A_860 = vector.broadcast %jit3A_859 : f32 to vector<16xf32>
      %select_n3A_861 = arith.select %eq3A_858, %broadcast_in_dim3A_860, %select_n3A_759 : vector<16xi1>, vector<16xf32>
      %eq3A_862 = arith.cmpi eq, %add3A_16, %min3A_841 : vector<16xi32>
      %jit3A_863 = arith.constant -1.000000e+00 : f32
      %broadcast_in_dim3A_864 = vector.broadcast %jit3A_863 : f32 to vector<16xf32>
      %select_n3A_865 = arith.select %eq3A_862, %broadcast_in_dim3A_864, %select_n3A_763 : vector<16xi1>, vector<16xf32>
      %lt3A = arith.constant 8 : i32
      %lt3A_866 = vector.broadcast %lt3A : i32 to vector<16xi32>
      %lt3A_867 = arith.cmpi slt, %iota3A, %lt3A_866 : vector<16xi32>
      %jit3A_868 = arith.constant 0.000000e+00 : f32
      %broadcast_in_dim3A_869 = vector.broadcast %jit3A_868 : f32 to vector<16xf32>
      %select_n3A_870 = arith.select %lt3A_867, %select_n3A_845, %broadcast_in_dim3A_869 : vector<16xi1>, vector<16xf32>
      %xor3A_871 = arith.constant 8 : i32
      %xor3A_872 = vector.broadcast %xor3A_871 : i32 to vector<16xi32>
      %xor3A_873 = arith.xori %iota3A, %xor3A_872 : vector<16xi32>
      %broadcast_in_dim3A_874 = vector.shape_cast %xor3A_873 : vector<16xi32> to vector<16x1xi32>
      %gather3A_875 = vector.shape_cast %broadcast_in_dim3A_874 : vector<16x1xi32> to vector<16xi32>
      %gather3A_876 = tpu.dynamic_gather %select_n3A_870[%gather3A_875] in [0] : vector<16xf32>, vector<16xi32> -> vector<16xf32>
      %add3A_877 = arith.addf %select_n3A_870, %gather3A_876 : vector<16xf32>
      %xor3A_878 = arith.constant 4 : i32
      %xor3A_879 = vector.broadcast %xor3A_878 : i32 to vector<16xi32>
      %xor3A_880 = arith.xori %iota3A, %xor3A_879 : vector<16xi32>
      %broadcast_in_dim3A_881 = vector.shape_cast %xor3A_880 : vector<16xi32> to vector<16x1xi32>
      %gather3A_882 = vector.shape_cast %broadcast_in_dim3A_881 : vector<16x1xi32> to vector<16xi32>
      %gather3A_883 = tpu.dynamic_gather %add3A_877[%gather3A_882] in [0] : vector<16xf32>, vector<16xi32> -> vector<16xf32>
      %add3A_884 = arith.addf %add3A_877, %gather3A_883 : vector<16xf32>
      %xor3A_885 = arith.constant 2 : i32
      %xor3A_886 = vector.broadcast %xor3A_885 : i32 to vector<16xi32>
      %xor3A_887 = arith.xori %iota3A, %xor3A_886 : vector<16xi32>
      %broadcast_in_dim3A_888 = vector.shape_cast %xor3A_887 : vector<16xi32> to vector<16x1xi32>
      %gather3A_889 = vector.shape_cast %broadcast_in_dim3A_888 : vector<16x1xi32> to vector<16xi32>
      %gather3A_890 = tpu.dynamic_gather %add3A_884[%gather3A_889] in [0] : vector<16xf32>, vector<16xi32> -> vector<16xf32>
      %add3A_891 = arith.addf %add3A_884, %gather3A_890 : vector<16xf32>
      %xor3A_892 = arith.constant 1 : i32
      %xor3A_893 = vector.broadcast %xor3A_892 : i32 to vector<16xi32>
      %xor3A_894 = arith.xori %iota3A, %xor3A_893 : vector<16xi32>
      %broadcast_in_dim3A_895 = vector.shape_cast %xor3A_894 : vector<16xi32> to vector<16x1xi32>
      %gather3A_896 = vector.shape_cast %broadcast_in_dim3A_895 : vector<16x1xi32> to vector<16xi32>
      %gather3A_897 = tpu.dynamic_gather %add3A_891[%gather3A_896] in [0] : vector<16xf32>, vector<16xi32> -> vector<16xf32>
      %add3A_898 = arith.addf %add3A_891, %gather3A_897 : vector<16xf32>
      %div3A = arith.divf %select_n3A_845, %add3A_898 : vector<16xf32>
      %mul3A_899 = arith.constant 16 : i32
      %mul3A_900 = arith.muli %scan3A_26, %mul3A_899 : i32
      %swap3A = arith.index_cast %mul3A_900 : i32 to index
      %swap3A_901 = tpu.vector_load %arg6[%swap3A] {strides = array<i32>} : memref<8192xf32, #tpu.memory_space<vmem>>, vector<16xf32>,
      %swap3A_902 = vector.shape_cast %swap3A_901 : vector<16xf32> to vector<16xf32>
      %swap3A_903 = vector.shape_cast %div3A : vector<16xf32> to vector<16xf32>
      tpu.vector_store %arg6[%swap3A], %swap3A_903 {strides = array<i32>} : memref<8192xf32, #tpu.memory_space<vmem>>, vector<16xf32>,
      %mul3A_904 = arith.constant 16 : i32
      %mul3A_905 = arith.muli %scan3A_26, %mul3A_904 : i32
      %swap3A_906 = arith.index_cast %mul3A_905 : i32 to index
      %swap3A_907 = tpu.vector_load %arg7[%swap3A_906] {strides = array<i32>} : memref<8192xi32, #tpu.memory_space<vmem>>, vector<16xi32>,
      %swap3A_908 = vector.shape_cast %swap3A_907 : vector<16xi32> to vector<16xi32>
      %swap3A_909 = vector.shape_cast %select_n3A_849 : vector<16xi32> to vector<16xi32>
      tpu.vector_store %arg7[%swap3A_906], %swap3A_909 {strides = array<i32>} : memref<8192xi32, #tpu.memory_space<vmem>>, vector<16xi32>,
    }
    %scan3A_21 = arith.constant 512 : i32
    %mul3A_22 = arith.constant 16 : i32
    %mul3A_23 = arith.muli %mul3A_2, %mul3A_22 : i32
    "tpu.region"() ({
      %run_scoped3A = tpu.sem_alloc : memref<!tpu.dma_semaphore, #tpu.memory_space<semaphore_mem>>
      %dma_start3A = tpu.memref_slice %arg3[%mul3A_23] : memref<262144xf32, #tpu.memory_space<hbm>> -> memref<8192xf32, #tpu.memory_space<hbm>>
      %dma_start3A_26 = tpu.memref_slice %arg3[%mul3A_23] : memref<262144xf32, #tpu.memory_space<hbm>> -> memref<8192xf32, #tpu.memory_space<hbm>>
      tpu.enqueue_dma source(%arg6 : memref<8192xf32, #tpu.memory_space<vmem>>) target(%dma_start3A_26 : memref<8192xf32, #tpu.memory_space<hbm>>) target_semaphore(%run_scoped3A : memref<!tpu.dma_semaphore, #tpu.memory_space<semaphore_mem>>)
      %dma_wait3A = tpu.memref_slice %arg3[%mul3A_23] : memref<262144xf32, #tpu.memory_space<hbm>> -> memref<8192xf32, #tpu.memory_space<hbm>>
      %dma_wait3A_27 = tpu.memref_slice %arg3[%mul3A_23] : memref<262144xf32, #tpu.memory_space<hbm>> -> memref<8192xf32, #tpu.memory_space<hbm>>
      tpu.wait_dma2 semaphore(%run_scoped3A : memref<!tpu.dma_semaphore, #tpu.memory_space<semaphore_mem>>) src(%arg6 : memref<8192xf32, #tpu.memory_space<vmem>>) dst(%dma_wait3A_27 : memref<8192xf32, #tpu.memory_space<hbm>>)
      tpu.yield
    }) : () -> ()
    %mul3A_24 = arith.constant 16 : i32
    %mul3A_25 = arith.muli %mul3A_2, %mul3A_24 : i32
    "tpu.region"() ({
      %run_scoped3A = tpu.sem_alloc : memref<!tpu.dma_semaphore, #tpu.memory_space<semaphore_mem>>
      %dma_start3A = tpu.memref_slice %arg4[%mul3A_25] : memref<262144xi32, #tpu.memory_space<hbm>> -> memref<8192xi32, #tpu.memory_space<hbm>>
      %dma_start3A_26 = tpu.memref_slice %arg4[%mul3A_25] : memref<262144xi32, #tpu.memory_space<hbm>> -> memref<8192xi32, #tpu.memory_space<hbm>>
      tpu.enqueue_dma source(%arg7 : memref<8192xi32, #tpu.memory_space<vmem>>) target(%dma_start3A_26 : memref<8192xi32, #tpu.memory_space<hbm>>) target_semaphore(%run_scoped3A : memref<!tpu.dma_semaphore, #tpu.memory_space<semaphore_mem>>)
      %dma_wait3A = tpu.memref_slice %arg4[%mul3A_25] : memref<262144xi32, #tpu.memory_space<hbm>> -> memref<8192xi32, #tpu.memory_space<hbm>>
      %dma_wait3A_27 = tpu.memref_slice %arg4[%mul3A_25] : memref<262144xi32, #tpu.memory_space<hbm>> -> memref<8192xi32, #tpu.memory_space<hbm>>
      tpu.wait_dma2 semaphore(%run_scoped3A : memref<!tpu.dma_semaphore, #tpu.memory_space<semaphore_mem>>) src(%arg7 : memref<8192xi32, #tpu.memory_space<vmem>>) dst(%dma_wait3A_27 : memref<8192xi32, #tpu.memory_space<hbm>>)
      tpu.yield
    }) : () -> ()
    return
  }
}

module attributes {stable_mosaic.version = 14 : i64} {
  func.func @_probs_block(%arg0: i32, %arg1: memref<1024x4096xf32, #tpu.memory_space<vmem>>, %arg2: memref<64x4096xf32, #tpu.memory_space<vmem>>, %arg3: memref<1024x64xf32, #tpu.memory_space<vmem>>) attributes {dimension_semantics = [#tpu.dimension_semantics<parallel>], iteration_bounds = array<i64: 16>, scalar_prefetch = 0 : i64, scratch_operands = 0 : i64, tpu.core_type = #tpu.core_type<tc>, window_params = [{transform_indices = @transform_0, window_bounds = array<i64: 1024, 4096>}, {pipeline_mode = #tpu.pipeline_mode<synchronous>, transform_indices = @transform_1, window_bounds = array<i64: 64, 4096>}, {transform_indices = @transform_2, window_bounds = array<i64: 1024, 64>}]} {
    %get3A = arith.constant 0 : index
    %get3A_0 = arith.constant 0 : index
    %get3A_1 = vector.load %arg1[%get3A, %get3A_0] : memref<1024x4096xf32, #tpu.memory_space<vmem>>, vector<1024x4096xf32>
    %get3A_2 = arith.constant 0 : index
    %get3A_3 = arith.constant 0 : index
    %get3A_4 = vector.load %arg2[%get3A_2, %get3A_3] : memref<64x4096xf32, #tpu.memory_space<vmem>>, vector<64x4096xf32>
    %dot_general3A = arith.constant dense<0.000000e+00> : vector<64x1024xf32>
    %dot_general3A_5 = tpu.matmul %get3A_4, %get3A_1, %dot_general3A {dimension_numbers = #tpu.dot_dimension_numbers<[1], [1], [0], [0], [0, 0, 1, 0], [], []>, transpose_lhs_hint = false} : vector<64x4096xf32>, vector<1024x4096xf32>, vector<64x1024xf32> -> vector<64x1024xf32>
    %reduce_max3A = arith.constant dense<0xFF800000> : vector<1024xf32>
    %reduce_max3A_6 = vector.multi_reduction <maximumf>, %dot_general3A_5, %reduce_max3A [0] : vector<64x1024xf32> to vector<1024xf32>
    %broadcast_in_dim3A = vector.shape_cast %reduce_max3A_6 : vector<1024xf32> to vector<1x1024xf32>
    %sub3A = vector.broadcast %broadcast_in_dim3A : vector<1x1024xf32> to vector<64x1024xf32>
    %sub3A_7 = arith.subf %dot_general3A_5, %sub3A : vector<64x1024xf32>
    %exp3A = math.exp %sub3A_7 : vector<64x1024xf32>
    %reduce_sum3A = arith.constant dense<0.000000e+00> : vector<1024xf32>
    %reduce_sum3A_8 = vector.multi_reduction <add>, %exp3A, %reduce_sum3A [0] : vector<64x1024xf32> to vector<1024xf32>
    %broadcast_in_dim3A_9 = vector.shape_cast %reduce_sum3A_8 : vector<1024xf32> to vector<1x1024xf32>
    %div3A = vector.broadcast %broadcast_in_dim3A_9 : vector<1x1024xf32> to vector<64x1024xf32>
    %div3A_10 = arith.divf %exp3A, %div3A : vector<64x1024xf32>
    %transpose3A = tpu.transpose %div3A_10, [1, 0] : vector<64x1024xf32> -> vector<1024x64xf32>
    %swap3A = arith.constant 0 : index
    %swap3A_11 = arith.constant 0 : index
    %swap3A_12 = vector.load %arg3[%swap3A, %swap3A_11] : memref<1024x64xf32, #tpu.memory_space<vmem>>, vector<1024x64xf32>
    tpu.vector_store %arg3[%swap3A, %swap3A_11], %transpose3A {strides = array<i32>} : memref<1024x64xf32, #tpu.memory_space<vmem>>, vector<1024x64xf32>,
    return
  }
  func.func @transform_0(%arg0: i32) -> (i32, i32) {
    %c0_i32 = arith.constant 0 : i32
    %c0_i32_0 = arith.constant 0 : i32
    return %arg0, %c0_i32 : i32, i32
  }
  func.func @transform_1(%arg0: i32) -> (i32, i32) {
    %c0_i32 = arith.constant 0 : i32
    %c0_i32_0 = arith.constant 0 : i32
    %c0_i32_1 = arith.constant 0 : i32
    return %c0_i32, %c0_i32_0 : i32, i32
  }
  func.func @transform_2(%arg0: i32) -> (i32, i32) {
    %c0_i32 = arith.constant 0 : i32
    %c0_i32_0 = arith.constant 0 : i32
    return %arg0, %c0_i32 : i32, i32
  }
}

</mosaic_0001>

<sc_bundles>
// kernel: kernel.4.cloned.1.call-start
scs
__scs_entry_jumppad:
0x0: {  	(pc) =	sbr.rel $0x88, $3  }
0x1: {  	(tag) =	ssettag $0x0;
	lr =	simm.s32 $0x1  }
0x2: {  	[smem:$0x3F9F] =	sst lr;
	_ =	strace $0xD0000000  }
0x3: {  	_ = 	snop  }
0x4: {  	_ = 	snop  }
0x5: {  	_ = 	snop  }
0x6: {  	_ = 	snop  }
0x7: {  	_ = 	snop  }
__scs_overlays_trampoline_lowered:
0x8: {  	[smem:$0x3FAE] =	sst s0  }
0x9: {  	[smem:$0x3FAF] =	sst s1  }
0xa: {  	[smem:$0x3FB0] =	sst s2  }
0xb: {  	[smem:$0x3FB1] =	sst s3  }
0xc: {  	[smem:$0x3FB2] =	sst s4  }
0xd: {  	[smem:$0x3FB3] =	sst s5  }
0xe: {  	[smem:$0x3FB4] =	sst s6  }
0xf: {  	[smem:$0x3FB5] =	sst s7  }
0x10: {  	[smem:$0x3FB6] =	sst s8  }
0x11: {  	[smem:$0x3FB7] =	sst s9;
	s0 =	simm.s32 @!p0 $0x0  }
0x12: {  	s1 =	sld [smem:$0x3F9D];
	s0 =	simm.s32 @p0 $0x1  }
0x13: {  	[smem:$0x3FB8] =	sst s0;
	s0 =	simm.s32 @!p1 $0x0  }
0x14: {  	s2 =	sld [smem:$0x3F9C];
	s0 =	simm.s32 @p1 $0x1  }
0x15: {  	[smem:$0x3FB9] =	sst s0;
	s0 =	simm.s32 @!p2 $0x0  }
0x16: {  	s3 =	sld [smem:$0x3FDB];
	s0 =	simm.s32 @p2 $0x1  }
0x17: {  	s4 =	simm.s32 $0x1BF5;
	[smem:$0x3FBB] =	sst s0  }
0x18: {  	s0 =	sld [smem:$0x3F9E];
	_ =	swait.ge [sflag:s4], $0x0  }
0x19: {  	s7 =	sld [smem:$0x3F9F]  }
0x1a: {  	s8 =	sadd.s32 $0xFFFFE003, lr  }
0x1b: {  	s9 =	sadd.s32 $0xFFFFFEF7, lr;
	s5 =	simm.s32 $0xFFFFFFFF;
	p2 =	slt.u32 s8, $0xFFFFF086  }
0x1c: {  	p1 =	slt.u32 s9, $0xF7A;
	s5 =	simm.s32 @!p2 $0x0  }
0x1d: {  	s5 =	simm.s32 @p1 $0x1;
	p0 =	seq.s32 s7, s2  }
0x1e: {  	s7 =	smul.u32 @!p0 $0xF7A, s2;
	p2 =	seq.s32 @!p0 s5, $0x0  }
0x1f: {  	s9 =	smul.u32 $0xF7A, s1;
	s8 =	simm.s32 @!p0 $0x1BF5;
	p2 =	por !p2, p0  }
0x20: {  	[sflag:s8] =	ssyncset.s32 @!p0 $0xFFFFF086;
	s6 =	sadd.s32 @!p0 s3, s7;
	s7 =	simm.s32 @!p0 $0x108  }
0x21: {  	s3 =	sadd.s32 s3, s9;
	s6 =	sadd.s32 @!p0 $0x88, s6;
	s7 =	simm.s32 @p2 $0x1082  }
0x22: {  	[simem:s7], [sflag:s8] =	dma.local @!p0 [hbm:s6], $0xF7A  }
0x23: {  	s9 =	sor.u32 $0xD0000000, s2;
	s6 =	simm.s32 $0x108;
	_ =	swait.ge @!p0 [sflag:s8], $0x0  }
0x24: {  	s3 =	sadd.s32 $0x88, s3;
	s6 =	simm.s32 @!p1 $0x1082;
	[sflag:s4] =	ssyncset.s32 $0xFFFFF086  }
0x25: {  	[simem:s6], [sflag:s4] =	dma.local [hbm:s3], $0xF7A  }
0x26: {  	[smem:$0x3F9F] =	sst s1;
	(tag) =	ssettag s2;
	_ =	strace s9  }
0x27: {  	s1 =	sld [smem:$0x3FAF]  }
0x28: {  	s2 =	sld [smem:$0x3FB0]  }
0x29: {  	s4 =	sld [smem:$0x3FB2]  }
0x2a: {  	p0 =	seq.s32 s5, $0x0;
	s5 =	sld [smem:$0x3FB3]  }
0x2b: {  	s6 =	sld [smem:$0x3FB4]  }
0x2c: {  	s7 =	sld [smem:$0x3FB5]  }
0x2d: {  	s3 =	simm.s32 $0x108;
	s8 =	sld [smem:$0x3FB6]  }
0x2e: {  	s3 =	simm.s32 @!p0 $0x1082;
	s9 =	sld [smem:$0x3FB7]  }
0x2f: {  	lr =	sadd.s32 s0, s3;
	s0 =	sld [smem:$0x3FAE]  }
0x30: {  	s3 =	sld [smem:$0x3FB1]  }
0x31: {  	[smem:$0x3FBA] =	sst s10  }
0x32: {  	s10 =	sld [smem:$0x3FB8];
	_ =	sdelay $0x3  }
0x33: {  	p0 =	seq.s32 s10, $0x1;
	s10 =	sld [smem:$0x3FBA];
	_ =	sdelay $0x3  }
0x34: {  	[smem:$0x3FBA] =	sst s10  }
0x35: {  	s10 =	sld [smem:$0x3FB9];
	_ =	sdelay $0x3  }
0x36: {  	p1 =	seq.s32 s10, $0x1;
	s10 =	sld [smem:$0x3FBA];
	_ =	sdelay $0x3  }
0x37: {  	[smem:$0x3FBA] =	sst s10  }
0x38: {  	s10 =	sld [smem:$0x3FBB]  }
0x39: {  	_ = 	snop;
	(pc) =	sbr.ind lr, $3  }
0x3a: {  	_ = 	snop  }
0x3b: {  	_ = 	snop  }
0x3c: {  	p2 =	seq.s32 s10, $0x1;
	s10 =	sld [smem:$0x3FBA]  }
0x3d: {  	_ =	shalt  }
0x3e: {  	_ =	shalt  }
0x3f: {  	_ =	shalt  }
0x40: {  	_ =	shalt  }
0x41: {  	_ =	shalt  }
0x42: {  	_ =	shalt  }
0x43: {  	_ =	shalt  }
0x44: {  	_ =	shalt  }
0x45: {  	_ =	shalt  }
0x46: {  	_ =	shalt  }
0x47: {  	_ =	shalt  }
0x48: {  	_ =	shalt  }
0x49: {  	_ =	shalt  }
0x4a: {  	_ =	shalt  }
0x4b: {  	_ =	shalt  }
0x4c: {  	_ =	shalt  }
0x4d: {  	_ =	shalt  }
0x4e: {  	_ =	shalt  }
0x4f: {  	_ =	shalt  }
0x50: {  	_ =	shalt  }
0x51: {  	_ =	shalt  }
0x52: {  	_ =	shalt  }
0x53: {  	_ =	shalt  }
0x54: {  	_ =	shalt  }
0x55: {  	_ =	shalt  }
0x56: {  	_ =	shalt  }
0x57: {  	_ =	shalt  }
0x58: {  	_ =	shalt  }
0x59: {  	_ =	shalt  }
0x5a: {  	_ =	shalt  }
0x5b: {  	_ =	shalt  }
0x5c: {  	_ =	shalt  }
0x5d: {  	_ =	shalt  }
0x5e: {  	_ =	shalt  }
0x5f: {  	_ =	shalt  }
0x60: {  	_ =	shalt  }
0x61: {  	_ =	shalt  }
0x62: {  	_ =	shalt  }
0x63: {  	_ =	shalt  }
0x64: {  	_ =	shalt  }
0x65: {  	_ =	shalt  }
0x66: {  	_ =	shalt  }
0x67: {  	_ =	shalt  }
0x68: {  	_ =	shalt  }
0x69: {  	_ =	shalt  }
0x6a: {  	_ =	shalt  }
0x6b: {  	_ =	shalt  }
0x6c: {  	_ =	shalt  }
0x6d: {  	_ =	shalt  }
0x6e: {  	_ =	shalt  }
0x6f: {  	_ =	shalt  }
0x70: {  	_ =	shalt  }
0x71: {  	_ =	shalt  }
0x72: {  	_ =	shalt  }
0x73: {  	_ =	shalt  }
0x74: {  	_ =	shalt  }
0x75: {  	_ =	shalt  }
0x76: {  	_ =	shalt  }
0x77: {  	_ =	shalt  }
0x78: {  	_ =	shalt  }
0x79: {  	_ =	shalt  }
0x7a: {  	_ =	shalt  }
0x7b: {  	_ =	shalt  }
0x7c: {  	_ =	shalt  }
0x7d: {  	_ =	shalt  }
0x7e: {  	_ =	shalt  }
0x7f: {  	_ =	shalt  }
0x80: {  	_ =	shalt  }
0x81: {  	_ =	shalt  }
0x82: {  	_ =	shalt  }
0x83: {  	_ =	shalt  }
0x84: {  	_ =	shalt  }
0x85: {  	_ =	shalt  }
0x86: {  	_ =	shalt  }
0x87: {  	_ =	shalt  }
.Lfunc_end0:
.L_simem_size_0:
called_computation_lowered:
.L_overlay_start_0:
0x88: {  	s2 =	sld [smem:$0x3FD9]  }
0x89: {  	s3 =	sld [smem:$0x3FFE];
	_ =	sdelay $0x1  }
0x8a: {  	s1 =	srdreg.scid  }
0x8b: {  	s0 =	sand.u32 $0x1, s1  }
0x8c: {  	s16 =	sshll.u32 s0, $0xA;
	s2 =	sadd.s32 s3, s2  }
0x8d: {  	s2 =	sadd.s32 s2, s16  }
0x8e: {  	[smem:$0x3FC6] =	sst s2  }
0x8f: {  	_ = 	snop  }
0x90: {  	(tm) =	ssettm $0x1  }
0x91: {  	s17 =	sld [smem:$0x3FFB];
	_ =	sdelay $0x3  }
0x92: {  	_ =	strace s17  }
0x93: {  	s2 =	sld [smem:$0x3FFC];
	_ =	sdelay $0x3  }
0x94: {  	_ =	strace s2  }
0x95: {  	s2 =	sld [smem:$0x3FFD];
	_ =	sdelay $0x3  }
0x96: {  	_ =	strace s2  }
0x97: {  	_ =	strace $0x8FFFFFFF  }
0x98: {  	s18 =	sld [smem:$0x3FDB];
	_ =	sdelay $0x1  }
0x99: {  	s19 =	simm.s32 $_scs_section_size  }
0x9a: {  	s4 =	simm.s32 $_size__tile_overlayer_lowered;
	s5 =	simm.s32 $_tile_overlayer_lowered  }
0x9b: {  	s22 =	simm.s32 $0x1BFF;
	s21 =	sshll.u32 s5, $0x1;
	s2 =	sadd.s32 s19, s18  }
0x9c: {  	s6 =	simm.s32 $0x0;
	s20 =	sshll.u32 s4, $0x1;
	s4 =	sadd.s32 s21, s2  }
0x9d: {  	[timem:s6], [sflag:s22] =	dma.local [hbm:s4], s20  }
0x9e: {  	_ =	swait.ge [sflag:s22], s20  }
0x9f: {  	s3 =	ssub.s32 $0x0, s20;
	[sflag:s22] =	ssyncset.done $0x0  }
0xa0: {  	[sflag:s22] =	ssyncadd.s32 s3;
	_ =	sdelay $0x1  }
0xa1: {  	s23 =	simm.s32 $0x1B8B  }
0xa2: {  	_ =	swait.ge [sflag:s23], $0x1  }
0xa3: {  	[sflag:s23] =	ssyncset.done $0x0  }
0xa4: {  	s25 =	simm.s32 $0x1B8E;
	s24 =	sld [smem:$0x3FFE];
	[sflag:s23] =	ssyncadd.s32 $0xFFFFFFFF  }
0xa5: {  	s26 =	simm.s32 $execute0_lowered;
	[smem:$0x3FD2] =	sst s25  }
0xa6: {  	s4 =	sshll.u32 s26, $0x1;
	_ =	strace $0x80000046;
	[dreg:$0x1] =	wrdreg $0xFFFFFFFF  }
0xa7: {  	s28 =	simm.s32 $_size_execute0_lowered;
	s2 =	sadd.s32 s2, s4;
	[dreg:$0x0] =	wrdreg $0x0  }
0xa8: {  	s4 =	sshll.u32 s28, $0x1;
	[dreg:$0x2] =	wrdreg s2  }
0xa9: {  	[dreg:$0x3] =	wrdreg s4  }
0xaa: {  	[dreg:$0x4] =	wrdreg $0xC0  }
0xab: {  	_ =	task [dreg:s6], $0x5FFFF  }
0xac: {  	[dreg:$0x1] =	wrdreg $0xFFFFFFFF  }
0xad: {  	[dreg:$0x0] =	wrdreg $0x60  }
0xae: {  	[dreg:$0x2] =	wrdreg s24  }
0xaf: {  	[dreg:$0x3] =	wrdreg $0x9  }
0xb0: {  	_ =	task.clear_ibuf [dreg:s6], $0x4FFFF;
	_ =	strace $0x90000046  }
0xb1: {  	s29 =	simm.s32 $0x9;
	_ =	strace $0x80000048  }
0xb2: {  	_ =	swait.ge [sflag:s29], $0x1  }
0xb3: {  	[sflag:s29] =	ssyncadd.s32 $0xFFFFFFFF  }
0xb4: {  	_ =	strace $0x90000048  }
0xb5: {  	_ =	sfence  }
0xb6: {  	s30 =	sld [smem:$0x0];
	_ =	sdelay $0x2  }
0xb7: {  	s31 =	sshll.u32 s1, $0xD;
	s1 =	sshrl.u32 s1, $0x2  }
0xb8: {  	s3 =	sand.u32 $0x4000, s31;
	s1 =	sadd.s32 s1, s30  }
0xb9: {  	s0 =	sor.u32 s3, s0;
	s1 =	sshll.u32 s1, $0x11  }
0xba: {  	s0 =	sor.u32 s1, s0  }
0xbb: {  	s0 =	sadd.s32 $0x8F2B, s0  }
0xbc: {  	[sflag:s0] =	ssyncadd.remote.s32 $0x1  }
0xbd: {  	_ =	sfence.sel $0xFFFF  }
0xbe: {  	[dreg:$0x0] =	wrdreg $0xFFFFFFFF;
	(pc) =	sbr.abs _section_cstart, $3  }
0xbf: {  	[dreg:$0x1] =	wrdreg $0xFFFFFFFF  }
0xc0: {  	_ =	task.clear_ibuf [dreg:s6], $0x2FFFF;
	_ =	strace $0x9FFFFFFF  }
0xc1: {  	(tm) =	ssettm $0x7FFFFFFF  }
tec
execute0_lowered:
.L_overlay_start_1:
0x0: {  	(tag) =	ssettag $0x1  }
0x1: {  	v0 =	vimm.s32 $0xFEDCBA98;
	v1 =	vimm.s32 $0x76543210;
	v2 =	vimm.s32 $0xBA98FEDC  }
0x2: {  	v3 =	vimm.s32 $0x32107654;
	v4 =	vimm.s32 $0xDCFE98BA;
	v5 =	vimm.s32 $0x54761032  }
0x3: {  	v6 =	vimm.s32 $0xEFCDAB89;
	v7 =	vimm.s32 $0x67452301;
	vm0 =	vmmov $0x1  }
0x4: {  	vm1 =	vcmask $0x320;
	vm2 =	vcmask $0x720;
	vm3 =	vcmask $0xB20  }
0x5: {  	vm4 =	vcmask $0xF20;
	vm5 =	vcmask $0x1320;
	vm6 =	vcmask $0x1720  }
0x6: {  	v0 =	vunpack.c.l.s4.s8 v0;
	v1 =	vunpack.c.l.s4.s8 v1;
	v2 =	vunpack.c.l.s4.s8 v2  }
0x7: {  	s3 =	rddreg [dreg:$0x0];
	v3 =	vunpack.c.l.s4.s8 v3;
	v4 =	vunpack.c.l.s4.s8 v4;
	v5 =	vunpack.c.l.s4.s8 v5  }
0x8: {  	s0 =	rddreg [dreg:$0x1];
	s2 =	simm.s32 $0x0;
	s4 =	srdreg.scid;
	v6 =	vunpack.c.l.s4.s8 v6;
	v7 =	vunpack.c.l.s4.s8 v7;
	v0 =	vunpack.c.0.s8.s32 v0  }
0x9: {  	s1 =	stileid.u32;
	s8 =	simm.s32 $0x8000;
	s9 =	simm.s32 $0xA000;
	v2 =	vunpack.c.0.s8.s32 v2;
	v3 =	vunpack.c.0.s8.s32 v3;
	v4 =	vunpack.c.0.s8.s32 v4  }
0xa: {  	[smem:$0x7FF] =	sst s2;
	s4 =	sand.u32 $0x1, s4;
	s5 =	sshll.u32 s1, $0x1;
	v5 =	vunpack.c.0.s8.s32 v5;
	v6 =	vunpack.c.0.s8.s32 v6;
	v7 =	vunpack.c.0.s8.s32 v7  }
0xb: {  	vm7 =	vcmask $0x1B20;
	s10 =	simm.s32 $0x0;
	_ =	strace $0x80000047;
	s5 =	sor.u32 s4, s5;
	v1 =	vunpack.c.0.s8.s32 v1;
	v2 =	vcombine.low v3, v2  }
0xc: {  	s4 =	ssub.s32 $0x2, s4;
	s6 =	sshll.u32 s5, $0xC;
	s5 =	sshll.u32 s5, $0xA;
	v0 =	vand.u32 $0xF, v0;
	v3 =	vcombine.low v5, v4;
	v4 =	vcombine.low v7, v6  }
0xd: {  	vm8 =	vmmov $0xff;
	s31 =	sshrl.u32 s4, $0x1;
	s6 =	sadd.s32 s6, s3;
	s5 =	sadd.s32 s5, s3;
	v0 =	vcombine.low v0, v1;
	v1 =	vand.u32 $0xF, v2  }
0xe: {  	s7 =	ssub.s32 s4, s31;
	s3 =	sadd.s32 $0xC00, s6;
	s4 =	sadd.s32 $0x20C00, s5;
	v2 =	vand.u32 $0xF, v3;
	v3 =	vand.u32 $0xF, v4;
	v4 =	vlaneseq.u32  }
0xf: {  	s5 =	sadd.s32 $0x28C00, s5;
	s6 =	smax.u32 s7, $0x1;
	s7 =	simm.s32 $0x1;
	v5 =	vor.u32 $0x30, v4;
	v6 =	vor.u32 $0x20, v4;
	v7 =	vor.u32 $0x10, v4  }
.LBB2_1:
0x10: {  	[tilespmem:s2], [sflag:$0x1] =	stream.linear.gather [hbm4b:s3+s2], $0x8000, $0x38;
	[tilespmem:$0xC000] =	vst v63  }
0x11: {  	_ =	swait.ge [sflag:s7], $0x8000  }
0x12: {  	[sflag:s7] =	ssyncset.done $0x0  }
0x13: {  	s11 =	simm.s32 $0x20;
	[sflag:s7] =	ssyncadd.s32 $0xFFFF8000  }
0x14: {  	v10 =	vld [tilespmem:s11+$0xFFFFFFE0]  }
0x15: {  	v11 =	vld [tilespmem:s11+$0x10]  }
0x16: {  	v12 =	vld [tilespmem:s11+$0x0]  }
0x17: {  	v13 =	vld [tilespmem:s11+$0xFFFFFFF0];
	_ =	sdelay $0x4  }
0x18: {  	v8 =	vmax.f32 v12, v11;
	v9 =	vmax.f32 v10, v13  }
0x19: {  	v8 =	vmax.f32 v9, v8  }
0x1a: {  	v9 =	vperm.xlane v8, v0;
	_ =	sdelay $0x1  }
0x1b: {  	v8 =	vmax.f32 v8, v9  }
0x1c: {  	v9 =	vperm.xlane v8, v1;
	_ =	sdelay $0x1  }
0x1d: {  	v8 =	vmax.f32 v8, v9  }
0x1e: {  	v9 =	vperm.xlane v8, v2;
	_ =	sdelay $0x1  }
0x1f: {  	v8 =	vmax.f32 v8, v9  }
0x20: {  	v9 =	vperm.xlane v8, v3;
	_ =	sdelay $0x1  }
0x21: {  	v9 =	vmax.f32 v8, v9  }
0x22: {  	vm9 =	veq.f32 v11, v9  }
0x23: {  	vm10 =	veq.f32 v12, v9;
	v8 =	vnsel vm9, $0x40, v5  }
0x24: {  	vm9 =	veq.f32 v13, v9;
	v8 =	vsel vm10, v6, v8  }
0x25: {  	vm10 =	veq.f32 v10, v9;
	v8 =	vsel vm9, v7, v8  }
0x26: {  	v8 =	vsel vm10, v4, v8  }
0x27: {  	v14 =	vperm.xlane v8, v0;
	_ =	sdelay $0x1  }
0x28: {  	vm9 =	vlt.s32 v8, v14  }
0x29: {  	v8 =	vsel vm9, v8, v14  }
0x2a: {  	v14 =	vperm.xlane v8, v1;
	_ =	sdelay $0x1  }
0x2b: {  	vm9 =	vlt.s32 v8, v14  }
0x2c: {  	v8 =	vsel vm9, v8, v14  }
0x2d: {  	v14 =	vperm.xlane v8, v2;
	_ =	sdelay $0x1  }
0x2e: {  	vm9 =	vlt.s32 v8, v14  }
0x2f: {  	v8 =	vsel vm9, v8, v14  }
0x30: {  	v14 =	vperm.xlane v8, v3;
	_ =	sdelay $0x1  }
0x31: {  	vm9 =	vlt.s32 v8, v14  }
0x32: {  	v8 =	vsel vm9, v8, v14  }
0x33: {  	vm9 =	veq.s32 v8, v4;
	vm10 =	veq.s32 v8, v7  }
0x34: {  	vm11 =	veq.s32 v8, v6;
	v45 =	vsel vm9, $0xBF800000, v10;
	vm9 =	veq.s32 v8, v5  }
0x35: {  	v13 =	vsel vm10, $0xBF800000, v13;
	v12 =	vsel vm11, $0xBF800000, v12;
	v15 =	vsel vm9, $0xBF800000, v11  }
0x36: {  	v10 =	vmax.f32 v45, v13;
	v11 =	vmax.f32 v12, v15  }
0x37: {  	v10 =	vmax.f32 v10, v11  }
0x38: {  	v11 =	vperm.xlane v10, v0;
	_ =	sdelay $0x1  }
0x39: {  	v10 =	vmax.f32 v10, v11  }
0x3a: {  	v11 =	vperm.xlane v10, v1;
	_ =	sdelay $0x1  }
0x3b: {  	v10 =	vmax.f32 v10, v11  }
0x3c: {  	v11 =	vperm.xlane v10, v2;
	_ =	sdelay $0x1  }
0x3d: {  	v10 =	vmax.f32 v10, v11  }
0x3e: {  	v11 =	vperm.xlane v10, v3;
	_ =	sdelay $0x1  }
0x3f: {  	v11 =	vmax.f32 v10, v11  }
0x40: {  	vm9 =	veq.f32 v15, v11  }
0x41: {  	vm10 =	veq.f32 v12, v11;
	v10 =	vnsel vm9, $0x40, v5  }
0x42: {  	vm9 =	veq.f32 v13, v11;
	v10 =	vsel vm10, v6, v10  }
0x43: {  	vm10 =	veq.f32 v45, v11;
	v10 =	vsel vm9, v7, v10  }
0x44: {  	v10 =	vsel vm10, v4, v10  }
0x45: {  	v16 =	vperm.xlane v10, v0;
	_ =	sdelay $0x1  }
0x46: {  	vm9 =	vlt.s32 v10, v16  }
0x47: {  	v10 =	vsel vm9, v10, v16  }
0x48: {  	v16 =	vperm.xlane v10, v1;
	_ =	sdelay $0x1  }
0x49: {  	vm9 =	vlt.s32 v10, v16  }
0x4a: {  	v10 =	vsel vm9, v10, v16  }
0x4b: {  	v16 =	vperm.xlane v10, v2;
	_ =	sdelay $0x1  }
0x4c: {  	vm9 =	vlt.s32 v10, v16  }
0x4d: {  	v10 =	vsel vm9, v10, v16  }
0x4e: {  	v16 =	vperm.xlane v10, v3;
	_ =	sdelay $0x1  }
0x4f: {  	vm9 =	vlt.s32 v10, v16  }
0x50: {  	v10 =	vsel vm9, v10, v16  }
0x51: {  	vm9 =	veq.s32 v10, v4;
	vm10 =	veq.s32 v10, v7  }
0x52: {  	vm11 =	veq.s32 v10, v6;
	v14 =	vsel vm9, $0xBF800000, v45;
	vm9 =	veq.s32 v10, v5  }
0x53: {  	v46 =	vsel vm10, $0xBF800000, v13;
	v17 =	vsel vm11, $0xBF800000, v12;
	v15 =	vsel vm9, $0xBF800000, v15  }
0x54: {  	v47 =	vmax.f32 v14, v46;
	v48 =	vmax.f32 v17, v15  }
0x55: {  	v12 =	vmax.f32 v47, v48  }
0x56: {  	v13 =	vperm.xlane v12, v0;
	_ =	sdelay $0x1  }
0x57: {  	v12 =	vmax.f32 v12, v13  }
0x58: {  	v13 =	vperm.xlane v12, v1;
	_ =	sdelay $0x1  }
0x59: {  	v12 =	vmax.f32 v12, v13  }
0x5a: {  	v13 =	vperm.xlane v12, v2;
	_ =	sdelay $0x1  }
0x5b: {  	v12 =	vmax.f32 v12, v13  }
0x5c: {  	v13 =	vperm.xlane v12, v3;
	_ =	sdelay $0x1  }
0x5d: {  	v13 =	vmax.f32 v12, v13  }
0x5e: {  	vm9 =	veq.f32 v15, v13  }
0x5f: {  	vm10 =	veq.f32 v17, v13;
	v49 =	vnsel vm9, $0x40, v5  }
0x60: {  	vm9 =	veq.f32 v46, v13;
	v12 =	vsel vm10, v6, v49  }
0x61: {  	vm10 =	veq.f32 v14, v13;
	v12 =	vsel vm9, v7, v12  }
0x62: {  	v12 =	vsel vm10, v4, v12  }
0x63: {  	v18 =	vperm.xlane v12, v0;
	_ =	sdelay $0x1  }
0x64: {  	vm9 =	vlt.s32 v12, v18  }
0x65: {  	v12 =	vsel vm9, v12, v18  }
0x66: {  	v18 =	vperm.xlane v12, v1;
	_ =	sdelay $0x1  }
0x67: {  	vm9 =	vlt.s32 v12, v18  }
0x68: {  	v12 =	vsel vm9, v12, v18  }
0x69: {  	v18 =	vperm.xlane v12, v2;
	_ =	sdelay $0x1  }
0x6a: {  	vm9 =	vlt.s32 v12, v18  }
0x6b: {  	v12 =	vsel vm9, v12, v18  }
0x6c: {  	v18 =	vperm.xlane v12, v3;
	_ =	sdelay $0x1  }
0x6d: {  	vm9 =	vlt.s32 v12, v18  }
0x6e: {  	v12 =	vsel vm9, v12, v18  }
0x6f: {  	vm9 =	veq.s32 v12, v4;
	vm10 =	veq.s32 v12, v7  }
0x70: {  	vm11 =	veq.s32 v12, v6;
	v50 =	vsel vm9, $0xBF800000, v14;
	vm9 =	veq.s32 v12, v5  }
0x71: {  	v16 =	vsel vm10, $0xBF800000, v46;
	v17 =	vsel vm11, $0xBF800000, v17;
	v19 =	vsel vm9, $0xBF800000, v15  }
0x72: {  	v14 =	vmax.f32 v50, v16;
	v15 =	vmax.f32 v17, v19  }
0x73: {  	v14 =	vmax.f32 v14, v15  }
0x74: {  	v15 =	vperm.xlane v14, v0;
	_ =	sdelay $0x1  }
0x75: {  	v14 =	vmax.f32 v14, v15  }
0x76: {  	v15 =	vperm.xlane v14, v1;
	_ =	sdelay $0x1  }
0x77: {  	v14 =	vmax.f32 v14, v15  }
0x78: {  	v15 =	vperm.xlane v14, v2;
	_ =	sdelay $0x1  }
0x79: {  	v14 =	vmax.f32 v14, v15  }
0x7a: {  	v15 =	vperm.xlane v14, v3;
	_ =	sdelay $0x1  }
0x7b: {  	v15 =	vmax.f32 v14, v15  }
0x7c: {  	vm9 =	veq.f32 v19, v15  }
0x7d: {  	vm10 =	veq.f32 v17, v15;
	v51 =	vnsel vm9, $0x40, v5  }
0x7e: {  	vm9 =	veq.f32 v16, v15;
	v14 =	vsel vm10, v6, v51  }
0x7f: {  	vm10 =	veq.f32 v50, v15;
	v14 =	vsel vm9, v7, v14  }
0x80: {  	v14 =	vsel vm10, v4, v14  }
0x81: {  	v20 =	vperm.xlane v14, v0;
	_ =	sdelay $0x1  }
0x82: {  	vm9 =	vlt.s32 v14, v20  }
0x83: {  	v14 =	vsel vm9, v14, v20  }
0x84: {  	v20 =	vperm.xlane v14, v1;
	_ =	sdelay $0x1  }
0x85: {  	vm9 =	vlt.s32 v14, v20  }
0x86: {  	v14 =	vsel vm9, v14, v20  }
0x87: {  	v20 =	vperm.xlane v14, v2;
	_ =	sdelay $0x1  }
0x88: {  	vm9 =	vlt.s32 v14, v20  }
0x89: {  	v14 =	vsel vm9, v14, v20  }
0x8a: {  	v20 =	vperm.xlane v14, v3;
	_ =	sdelay $0x1  }
0x8b: {  	vm9 =	vlt.s32 v14, v20  }
0x8c: {  	v14 =	vsel vm9, v14, v20  }
0x8d: {  	vm9 =	veq.s32 v14, v4;
	vm10 =	veq.s32 v14, v7  }
0x8e: {  	vm11 =	veq.s32 v14, v6;
	v18 =	vsel vm9, $0xBF800000, v50;
	vm9 =	veq.s32 v14, v5  }
0x8f: {  	v52 =	vsel vm10, $0xBF800000, v16;
	v17 =	vsel vm11, $0xBF800000, v17;
	v19 =	vsel vm9, $0xBF800000, v19  }
0x90: {  	v16 =	vmax.f32 v18, v52;
	v21 =	vmax.f32 v17, v19  }
0x91: {  	v16 =	vmax.f32 v16, v21  }
0x92: {  	v21 =	vperm.xlane v16, v0;
	_ =	sdelay $0x1  }
0x93: {  	v16 =	vmax.f32 v16, v21  }
0x94: {  	v21 =	vperm.xlane v16, v1;
	_ =	sdelay $0x1  }
0x95: {  	v16 =	vmax.f32 v16, v21  }
0x96: {  	v21 =	vperm.xlane v16, v2;
	_ =	sdelay $0x1  }
0x97: {  	v16 =	vmax.f32 v16, v21  }
0x98: {  	v21 =	vperm.xlane v16, v3;
	_ =	sdelay $0x1  }
0x99: {  	v21 =	vmax.f32 v16, v21  }
0x9a: {  	vm9 =	veq.f32 v19, v21  }
0x9b: {  	vm10 =	veq.f32 v17, v21;
	v53 =	vnsel vm9, $0x40, v5  }
0x9c: {  	vm9 =	veq.f32 v52, v21;
	v16 =	vsel vm10, v6, v53  }
0x9d: {  	vm10 =	veq.f32 v18, v21;
	v16 =	vsel vm9, v7, v16  }
0x9e: {  	v16 =	vsel vm10, v4, v16  }
0x9f: {  	v22 =	vperm.xlane v16, v0;
	_ =	sdelay $0x1  }
0xa0: {  	vm9 =	vlt.s32 v16, v22  }
0xa1: {  	v16 =	vsel vm9, v16, v22  }
0xa2: {  	v22 =	vperm.xlane v16, v1;
	_ =	sdelay $0x1  }
0xa3: {  	vm9 =	vlt.s32 v16, v22  }
0xa4: {  	v16 =	vsel vm9, v16, v22  }
0xa5: {  	v22 =	vperm.xlane v16, v2;
	_ =	sdelay $0x1  }
0xa6: {  	vm9 =	vlt.s32 v16, v22  }
0xa7: {  	v16 =	vsel vm9, v16, v22  }
0xa8: {  	v22 =	vperm.xlane v16, v3;
	_ =	sdelay $0x1  }
0xa9: {  	vm9 =	vlt.s32 v16, v22  }
0xaa: {  	v16 =	vsel vm9, v16, v22  }
0xab: {  	vm9 =	veq.s32 v16, v4;
	vm10 =	veq.s32 v16, v7  }
0xac: {  	vm11 =	veq.s32 v16, v6;
	v18 =	vsel vm9, $0xBF800000, v18;
	vm9 =	veq.s32 v16, v5  }
0xad: {  	v20 =	vsel vm10, $0xBF800000, v52;
	v17 =	vsel vm11, $0xBF800000, v17;
	v19 =	vsel vm9, $0xBF800000, v19  }
0xae: {  	v54 =	vmax.f32 v18, v20;
	v23 =	vmax.f32 v17, v19  }
0xaf: {  	v22 =	vmax.f32 v54, v23  }
0xb0: {  	v23 =	vperm.xlane v22, v0;
	_ =	sdelay $0x1  }
0xb1: {  	v22 =	vmax.f32 v22, v23  }
0xb2: {  	v23 =	vperm.xlane v22, v1;
	_ =	sdelay $0x1  }
0xb3: {  	v22 =	vmax.f32 v22, v23  }
0xb4: {  	v23 =	vperm.xlane v22, v2;
	_ =	sdelay $0x1  }
0xb5: {  	v22 =	vmax.f32 v22, v23  }
0xb6: {  	v23 =	vperm.xlane v22, v3;
	_ =	sdelay $0x1  }
0xb7: {  	v22 =	vmax.f32 v22, v23  }
0xb8: {  	vm9 =	veq.f32 v19, v22  }
0xb9: {  	vm10 =	veq.f32 v17, v22;
	v55 =	vnsel vm9, $0x40, v5  }
0xba: {  	vm9 =	veq.f32 v20, v22;
	v23 =	vsel vm10, v6, v55  }
0xbb: {  	vm10 =	veq.f32 v18, v22;
	v23 =	vsel vm9, v7, v23  }
0xbc: {  	v23 =	vsel vm10, v4, v23  }
0xbd: {  	v24 =	vperm.xlane v23, v0;
	_ =	sdelay $0x1  }
0xbe: {  	vm9 =	vlt.s32 v23, v24  }
0xbf: {  	v23 =	vsel vm9, v23, v24  }
0xc0: {  	v24 =	vperm.xlane v23, v1;
	_ =	sdelay $0x1  }
0xc1: {  	vm9 =	vlt.s32 v23, v24  }
0xc2: {  	v23 =	vsel vm9, v23, v24  }
0xc3: {  	v24 =	vperm.xlane v23, v2;
	_ =	sdelay $0x1  }
0xc4: {  	vm9 =	vlt.s32 v23, v24  }
0xc5: {  	v23 =	vsel vm9, v23, v24  }
0xc6: {  	v24 =	vperm.xlane v23, v3;
	_ =	sdelay $0x1  }
0xc7: {  	vm9 =	vlt.s32 v23, v24  }
0xc8: {  	v23 =	vsel vm9, v23, v24  }
0xc9: {  	vm9 =	veq.s32 v23, v4;
	vm10 =	veq.s32 v23, v7  }
0xca: {  	vm11 =	veq.s32 v23, v6;
	v18 =	vsel vm9, $0xBF800000, v18;
	vm9 =	veq.s32 v23, v5  }
0xcb: {  	v20 =	vsel vm10, $0xBF800000, v20;
	v17 =	vsel vm11, $0xBF800000, v17;
	v19 =	vsel vm9, $0xBF800000, v19  }
0xcc: {  	v56 =	vmax.f32 v18, v20;
	v25 =	vmax.f32 v17, v19  }
0xcd: {  	v24 =	vmax.f32 v56, v25  }
0xce: {  	v25 =	vperm.xlane v24, v0;
	_ =	sdelay $0x1  }
0xcf: {  	v24 =	vmax.f32 v24, v25  }
0xd0: {  	v25 =	vperm.xlane v24, v1;
	_ =	sdelay $0x1  }
0xd1: {  	v24 =	vmax.f32 v24, v25  }
0xd2: {  	v25 =	vperm.xlane v24, v2;
	_ =	sdelay $0x1  }
0xd3: {  	v24 =	vmax.f32 v24, v25  }
0xd4: {  	v25 =	vperm.xlane v24, v3;
	_ =	sdelay $0x1  }
0xd5: {  	v24 =	vmax.f32 v24, v25  }
0xd6: {  	vm9 =	veq.f32 v19, v24  }
0xd7: {  	vm10 =	veq.f32 v17, v24;
	v57 =	vnsel vm9, $0x40, v5  }
0xd8: {  	vm9 =	veq.f32 v20, v24;
	v25 =	vsel vm10, v6, v57  }
0xd9: {  	vm10 =	veq.f32 v18, v24;
	v25 =	vsel vm9, v7, v25  }
0xda: {  	v25 =	vsel vm10, v4, v25  }
0xdb: {  	v26 =	vperm.xlane v25, v0;
	_ =	sdelay $0x1  }
0xdc: {  	vm9 =	vlt.s32 v25, v26  }
0xdd: {  	v25 =	vsel vm9, v25, v26  }
0xde: {  	v26 =	vperm.xlane v25, v1;
	_ =	sdelay $0x1  }
0xdf: {  	vm9 =	vlt.s32 v25, v26  }
0xe0: {  	v25 =	vsel vm9, v25, v26  }
0xe1: {  	v26 =	vperm.xlane v25, v2;
	_ =	sdelay $0x1  }
0xe2: {  	vm9 =	vlt.s32 v25, v26  }
0xe3: {  	v25 =	vsel vm9, v25, v26  }
0xe4: {  	v26 =	vperm.xlane v25, v3;
	_ =	sdelay $0x1  }
0xe5: {  	vm9 =	vlt.s32 v25, v26  }
0xe6: {  	v25 =	vsel vm9, v25, v26  }
0xe7: {  	vm9 =	veq.s32 v25, v4;
	vm10 =	veq.s32 v25, v7  }
0xe8: {  	vm11 =	veq.s32 v25, v6;
	v18 =	vsel vm9, $0xBF800000, v18;
	vm9 =	veq.s32 v25, v5  }
0xe9: {  	v20 =	vsel vm10, $0xBF800000, v20;
	v17 =	vsel vm11, $0xBF800000, v17;
	v19 =	vsel vm9, $0xBF800000, v19  }
0xea: {  	v58 =	vmax.f32 v18, v20;
	v27 =	vmax.f32 v17, v19  }
0xeb: {  	v26 =	vmax.f32 v58, v27  }
0xec: {  	v27 =	vperm.xlane v26, v0;
	_ =	sdelay $0x1  }
0xed: {  	v26 =	vmax.f32 v26, v27  }
0xee: {  	v27 =	vperm.xlane v26, v1;
	_ =	sdelay $0x1  }
0xef: {  	v26 =	vmax.f32 v26, v27  }
0xf0: {  	v9 =	vnsel vm0, $0x0, v9;
	v27 =	vperm.xlane v26, v2  }
0xf1: {  	v9 =	vsel vm1, v9, v11  }
0xf2: {  	v9 =	vsel vm2, v9, v13;
	v26 =	vmax.f32 v26, v27  }
0xf3: {  	v9 =	vsel vm3, v9, v15;
	v27 =	vperm.xlane v26, v3  }
0xf4: {  	v9 =	vsel vm4, v9, v21  }
0xf5: {  	v9 =	vsel vm5, v9, v22;
	v11 =	vmax.f32 v26, v27  }
0xf6: {  	v9 =	vsel vm6, v9, v24;
	vm9 =	veq.f32 v19, v11  }
0xf7: {  	vm10 =	veq.f32 v17, v11;
	v9 =	vsel vm7, v9, v11;
	v59 =	vnsel vm9, $0x40, v5  }
0xf8: {  	vm9 =	veq.f32 v20, v11;
	v60 =	vnsel vm8, $0x0, v9;
	v13 =	vsel vm10, v6, v59  }
0xf9: {  	vm10 =	veq.f32 v18, v11;
	v62 =	vperm.xlane v60, v0;
	v13 =	vsel vm9, v7, v13  }
0xfa: {  	v11 =	vsel vm10, v4, v13  }
0xfb: {  	v13 =	vadd.f32 v60, v62;
	v61 =	vperm.xlane v11, v0;
	_ =	sdelay $0x1  }
0xfc: {  	v17 =	vperm.xlane v13, v1;
	vm9 =	vlt.s32 v11, v61  }
0xfd: {  	v11 =	vsel vm9, v11, v61  }
0xfe: {  	v13 =	vadd.f32 v13, v17;
	v15 =	vperm.xlane v11, v1;
	_ =	sdelay $0x1  }
0xff: {  	v17 =	vperm.xlane v13, v2;
	vm9 =	vlt.s32 v11, v15  }
0x100: {  	v8 =	vnsel vm0, $0x0, v8;
	v11 =	vsel vm9, v11, v15  }
0x101: {  	v8 =	vsel vm1, v8, v10;
	v10 =	vadd.f32 v13, v17;
	v15 =	vperm.xlane v11, v2;
	_ =	sdelay $0x1  }
0x102: {  	v13 =	vperm.xlane v10, v3;
	vm9 =	vlt.s32 v11, v15  }
0x103: {  	v8 =	vsel vm2, v8, v12;
	v11 =	vsel vm9, v11, v15  }
0x104: {  	v8 =	vsel vm3, v8, v14;
	v10 =	vadd.f32 v10, v13;
	v63 =	vperm.xlane v11, v3  }
0x105: {  	v8 =	vsel vm4, v8, v16  }
0x106: {  	v8 =	vsel vm5, v8, v23;
	(erf) = vrcp.f32 v10;
	vm9 =	vlt.s32 v11, v63  }
0x107: {  	v8 =	vsel vm6, v8, v25;
	v11 =	vsel vm9, v11, v63  }
0x108: {  	s14 =	simm.s32 $0x0;
	v8 =	vsel vm7, v8, v11  }
0x109: {  	s12 =	simm.s32 $0x40;
	[tilespmem:s14+$0xA000] =	vst v8  }
.LBB2_2:
0x10a: {  	p0 =	sne.s32 s12, $0x7FC0  }
0x10b: {  	s11 =	sadd.s32 $0x40, s11;
	s13 =	smov.u32 s12;
	s12 =	sadd.s32 $0x40, s12  }
0x10c: {  	_ =	sdelay $0x2  }
0x10d: {  	v8 =	vpop (erf)  }
0x10e: {  	v8 =	vmul.f32 v8, v9;
	_ =	sdelay $0x1  }
0x10f: {  	[tilespmem:s14+$0x8000] =	vst v8  }
0x110: {  	v10 =	vld [tilespmem:s11+$0xFFFFFFE0]  }
0x111: {  	v11 =	vld [tilespmem:s11+$0x10]  }
0x112: {  	v12 =	vld [tilespmem:s11+$0x0]  }
0x113: {  	v13 =	vld [tilespmem:s11+$0xFFFFFFF0];
	_ =	sdelay $0x3  }
0x114: {  	v8 =	vmax.f32 v12, v11  }
0x115: {  	v9 =	vmax.f32 v10, v13  }
0x116: {  	v8 =	vmax.f32 v9, v8  }
0x117: {  	v9 =	vperm.xlane v8, v0;
	_ =	sdelay $0x1  }
0x118: {  	v8 =	vmax.f32 v8, v9  }
0x119: {  	v9 =	vperm.xlane v8, v1;
	_ =	sdelay $0x1  }
0x11a: {  	v8 =	vmax.f32 v8, v9  }
0x11b: {  	v9 =	vperm.xlane v8, v2;
	_ =	sdelay $0x1  }
0x11c: {  	v8 =	vmax.f32 v8, v9  }
0x11d: {  	v9 =	vperm.xlane v8, v3;
	_ =	sdelay $0x1  }
0x11e: {  	v9 =	vmax.f32 v8, v9  }
0x11f: {  	vm9 =	veq.f32 v10, v9;
	vm10 =	veq.f32 v13, v9;
	vm11 =	veq.f32 v11, v9  }
0x120: {  	vm12 =	veq.f32 v12, v9;
	v8 =	vnsel vm11, $0x40, v5  }
0x121: {  	v8 =	vsel vm12, v6, v8  }
0x122: {  	v8 =	vsel vm10, v7, v8  }
0x123: {  	v8 =	vsel vm9, v4, v8  }
0x124: {  	v14 =	vperm.xlane v8, v0;
	_ =	sdelay $0x1  }
0x125: {  	vm9 =	vlt.s32 v8, v14  }
0x126: {  	v8 =	vsel vm9, v8, v14  }
0x127: {  	v14 =	vperm.xlane v8, v1;
	_ =	sdelay $0x1  }
0x128: {  	vm9 =	vlt.s32 v8, v14  }
0x129: {  	v8 =	vsel vm9, v8, v14  }
0x12a: {  	v14 =	vperm.xlane v8, v2;
	_ =	sdelay $0x1  }
0x12b: {  	vm9 =	vlt.s32 v8, v14  }
0x12c: {  	v8 =	vsel vm9, v8, v14  }
0x12d: {  	v14 =	vperm.xlane v8, v3;
	_ =	sdelay $0x1  }
0x12e: {  	vm9 =	vlt.s32 v8, v14  }
0x12f: {  	v8 =	vsel vm9, v8, v14  }
0x130: {  	vm9 =	veq.s32 v8, v4;
	vm10 =	veq.s32 v8, v7;
	vm11 =	veq.s32 v8, v6  }
0x131: {  	v14 =	vsel vm9, $0xBF800000, v10;
	v13 =	vsel vm10, $0xBF800000, v13;
	vm9 =	veq.s32 v8, v5  }
0x132: {  	v12 =	vsel vm11, $0xBF800000, v12;
	v15 =	vsel vm9, $0xBF800000, v11;
	v10 =	vmax.f32 v14, v13  }
0x133: {  	v11 =	vmax.f32 v12, v15  }
0x134: {  	v10 =	vmax.f32 v10, v11  }
0x135: {  	v11 =	vperm.xlane v10, v0;
	_ =	sdelay $0x1  }
0x136: {  	v10 =	vmax.f32 v10, v11  }
0x137: {  	v11 =	vperm.xlane v10, v1;
	_ =	sdelay $0x1  }
0x138: {  	v10 =	vmax.f32 v10, v11  }
0x139: {  	v11 =	vperm.xlane v10, v2;
	_ =	sdelay $0x1  }
0x13a: {  	v10 =	vmax.f32 v10, v11  }
0x13b: {  	v11 =	vperm.xlane v10, v3;
	_ =	sdelay $0x1  }
0x13c: {  	v11 =	vmax.f32 v10, v11  }
0x13d: {  	vm9 =	veq.f32 v13, v11;
	vm10 =	veq.f32 v12, v11;
	vm11 =	veq.f32 v15, v11  }
0x13e: {  	vm12 =	veq.f32 v14, v11;
	v10 =	vnsel vm11, $0x40, v5  }
0x13f: {  	v10 =	vsel vm10, v6, v10  }
0x140: {  	v10 =	vsel vm9, v7, v10  }
0x141: {  	v10 =	vsel vm12, v4, v10  }
0x142: {  	v16 =	vperm.xlane v10, v0;
	_ =	sdelay $0x1  }
0x143: {  	vm9 =	vlt.s32 v10, v16  }
0x144: {  	v10 =	vsel vm9, v10, v16  }
0x145: {  	v16 =	vperm.xlane v10, v1;
	_ =	sdelay $0x1  }
0x146: {  	vm9 =	vlt.s32 v10, v16  }
0x147: {  	v10 =	vsel vm9, v10, v16  }
0x148: {  	v16 =	vperm.xlane v10, v2;
	_ =	sdelay $0x1  }
0x149: {  	vm9 =	vlt.s32 v10, v16  }
0x14a: {  	v10 =	vsel vm9, v10, v16  }
0x14b: {  	v16 =	vperm.xlane v10, v3;
	_ =	sdelay $0x1  }
0x14c: {  	vm9 =	vlt.s32 v10, v16  }
0x14d: {  	v10 =	vsel vm9, v10, v16  }
0x14e: {  	vm9 =	veq.s32 v10, v4;
	vm10 =	veq.s32 v10, v7;
	vm11 =	veq.s32 v10, v6  }
0x14f: {  	v14 =	vsel vm9, $0xBF800000, v14;
	v16 =	vsel vm10, $0xBF800000, v13;
	vm9 =	veq.s32 v10, v5  }
0x150: {  	v17 =	vsel vm11, $0xBF800000, v12;
	v15 =	vsel vm9, $0xBF800000, v15;
	v12 =	vmax.f32 v14, v16  }
0x151: {  	v13 =	vmax.f32 v17, v15  }
0x152: {  	v12 =	vmax.f32 v12, v13  }
0x153: {  	v13 =	vperm.xlane v12, v0;
	_ =	sdelay $0x1  }
0x154: {  	v12 =	vmax.f32 v12, v13  }
0x155: {  	v13 =	vperm.xlane v12, v1;
	_ =	sdelay $0x1  }
0x156: {  	v12 =	vmax.f32 v12, v13  }
0x157: {  	v13 =	vperm.xlane v12, v2;
	_ =	sdelay $0x1  }
0x158: {  	v12 =	vmax.f32 v12, v13  }
0x159: {  	v13 =	vperm.xlane v12, v3;
	_ =	sdelay $0x1  }
0x15a: {  	v13 =	vmax.f32 v12, v13  }
0x15b: {  	vm9 =	veq.f32 v16, v13;
	vm10 =	veq.f32 v17, v13;
	vm11 =	veq.f32 v15, v13  }
0x15c: {  	vm12 =	veq.f32 v14, v13;
	v12 =	vnsel vm11, $0x40, v5  }
0x15d: {  	v12 =	vsel vm10, v6, v12  }
0x15e: {  	v12 =	vsel vm9, v7, v12  }
0x15f: {  	v12 =	vsel vm12, v4, v12  }
0x160: {  	v18 =	vperm.xlane v12, v0;
	_ =	sdelay $0x1  }
0x161: {  	vm9 =	vlt.s32 v12, v18  }
0x162: {  	v12 =	vsel vm9, v12, v18  }
0x163: {  	v18 =	vperm.xlane v12, v1;
	_ =	sdelay $0x1  }
0x164: {  	vm9 =	vlt.s32 v12, v18  }
0x165: {  	v12 =	vsel vm9, v12, v18  }
0x166: {  	v18 =	vperm.xlane v12, v2;
	_ =	sdelay $0x1  }
0x167: {  	vm9 =	vlt.s32 v12, v18  }
0x168: {  	v12 =	vsel vm9, v12, v18  }
0x169: {  	v18 =	vperm.xlane v12, v3;
	_ =	sdelay $0x1  }
0x16a: {  	vm9 =	vlt.s32 v12, v18  }
0x16b: {  	v12 =	vsel vm9, v12, v18  }
0x16c: {  	vm9 =	veq.s32 v12, v4;
	vm10 =	veq.s32 v12, v7;
	vm11 =	veq.s32 v12, v6  }
0x16d: {  	v18 =	vsel vm9, $0xBF800000, v14;
	v16 =	vsel vm10, $0xBF800000, v16;
	vm9 =	veq.s32 v12, v5  }
0x16e: {  	v17 =	vsel vm11, $0xBF800000, v17;
	v19 =	vsel vm9, $0xBF800000, v15;
	v14 =	vmax.f32 v18, v16  }
0x16f: {  	v15 =	vmax.f32 v17, v19  }
0x170: {  	v14 =	vmax.f32 v14, v15  }
0x171: {  	v15 =	vperm.xlane v14, v0;
	_ =	sdelay $0x1  }
0x172: {  	v14 =	vmax.f32 v14, v15  }
0x173: {  	v15 =	vperm.xlane v14, v1;
	_ =	sdelay $0x1  }
0x174: {  	v14 =	vmax.f32 v14, v15  }
0x175: {  	v15 =	vperm.xlane v14, v2;
	_ =	sdelay $0x1  }
0x176: {  	v14 =	vmax.f32 v14, v15  }
0x177: {  	v15 =	vperm.xlane v14, v3;
	_ =	sdelay $0x1  }
0x178: {  	v15 =	vmax.f32 v14, v15  }
0x179: {  	vm9 =	veq.f32 v18, v15;
	vm10 =	veq.f32 v16, v15;
	vm11 =	veq.f32 v19, v15  }
0x17a: {  	vm12 =	veq.f32 v17, v15;
	v14 =	vnsel vm11, $0x40, v5  }
0x17b: {  	v14 =	vsel vm12, v6, v14  }
0x17c: {  	v14 =	vsel vm10, v7, v14  }
0x17d: {  	v14 =	vsel vm9, v4, v14  }
0x17e: {  	v20 =	vperm.xlane v14, v0;
	_ =	sdelay $0x1  }
0x17f: {  	vm9 =	vlt.s32 v14, v20  }
0x180: {  	v14 =	vsel vm9, v14, v20  }
0x181: {  	v20 =	vperm.xlane v14, v1;
	_ =	sdelay $0x1  }
0x182: {  	vm9 =	vlt.s32 v14, v20  }
0x183: {  	v14 =	vsel vm9, v14, v20  }
0x184: {  	v20 =	vperm.xlane v14, v2;
	_ =	sdelay $0x1  }
0x185: {  	vm9 =	vlt.s32 v14, v20  }
0x186: {  	v14 =	vsel vm9, v14, v20  }
0x187: {  	v20 =	vperm.xlane v14, v3;
	_ =	sdelay $0x1  }
0x188: {  	vm9 =	vlt.s32 v14, v20  }
0x189: {  	v14 =	vsel vm9, v14, v20  }
0x18a: {  	vm9 =	veq.s32 v14, v4;
	vm10 =	veq.s32 v14, v7;
	vm11 =	veq.s32 v14, v6  }
0x18b: {  	v18 =	vsel vm9, $0xBF800000, v18;
	v20 =	vsel vm10, $0xBF800000, v16;
	vm9 =	veq.s32 v14, v5  }
0x18c: {  	v21 =	vsel vm11, $0xBF800000, v17;
	v19 =	vsel vm9, $0xBF800000, v19;
	v16 =	vmax.f32 v18, v20  }
0x18d: {  	v17 =	vmax.f32 v21, v19  }
0x18e: {  	v16 =	vmax.f32 v16, v17  }
0x18f: {  	v17 =	vperm.xlane v16, v0;
	_ =	sdelay $0x1  }
0x190: {  	v16 =	vmax.f32 v16, v17  }
0x191: {  	v17 =	vperm.xlane v16, v1;
	_ =	sdelay $0x1  }
0x192: {  	v16 =	vmax.f32 v16, v17  }
0x193: {  	v17 =	vperm.xlane v16, v2;
	_ =	sdelay $0x1  }
0x194: {  	v16 =	vmax.f32 v16, v17  }
0x195: {  	v17 =	vperm.xlane v16, v3;
	_ =	sdelay $0x1  }
0x196: {  	v17 =	vmax.f32 v16, v17  }
0x197: {  	vm9 =	veq.f32 v18, v17;
	vm10 =	veq.f32 v20, v17;
	vm11 =	veq.f32 v19, v17  }
0x198: {  	vm12 =	veq.f32 v21, v17;
	v16 =	vnsel vm11, $0x40, v5  }
0x199: {  	v16 =	vsel vm12, v6, v16  }
0x19a: {  	v16 =	vsel vm10, v7, v16  }
0x19b: {  	v16 =	vsel vm9, v4, v16  }
0x19c: {  	v22 =	vperm.xlane v16, v0;
	_ =	sdelay $0x1  }
0x19d: {  	vm9 =	vlt.s32 v16, v22  }
0x19e: {  	v16 =	vsel vm9, v16, v22  }
0x19f: {  	v22 =	vperm.xlane v16, v1;
	_ =	sdelay $0x1  }
0x1a0: {  	vm9 =	vlt.s32 v16, v22  }
0x1a1: {  	v16 =	vsel vm9, v16, v22  }
0x1a2: {  	v22 =	vperm.xlane v16, v2;
	_ =	sdelay $0x1  }
0x1a3: {  	vm9 =	vlt.s32 v16, v22  }
0x1a4: {  	v16 =	vsel vm9, v16, v22  }
0x1a5: {  	v22 =	vperm.xlane v16, v3;
	_ =	sdelay $0x1  }
0x1a6: {  	vm9 =	vlt.s32 v16, v22  }
0x1a7: {  	v16 =	vsel vm9, v16, v22  }
0x1a8: {  	vm9 =	veq.s32 v16, v4;
	vm10 =	veq.s32 v16, v7;
	vm11 =	veq.s32 v16, v6  }
0x1a9: {  	v22 =	vsel vm9, $0xBF800000, v18;
	v20 =	vsel vm10, $0xBF800000, v20;
	vm9 =	veq.s32 v16, v5  }
0x1aa: {  	v21 =	vsel vm11, $0xBF800000, v21;
	v23 =	vsel vm9, $0xBF800000, v19;
	v18 =	vmax.f32 v22, v20  }
0x1ab: {  	v19 =	vmax.f32 v21, v23  }
0x1ac: {  	v18 =	vmax.f32 v18, v19  }
0x1ad: {  	v19 =	vperm.xlane v18, v0;
	_ =	sdelay $0x1  }
0x1ae: {  	v18 =	vmax.f32 v18, v19  }
0x1af: {  	v19 =	vperm.xlane v18, v1;
	_ =	sdelay $0x1  }
0x1b0: {  	v18 =	vmax.f32 v18, v19  }
0x1b1: {  	v19 =	vperm.xlane v18, v2;
	_ =	sdelay $0x1  }
0x1b2: {  	v18 =	vmax.f32 v18, v19  }
0x1b3: {  	v19 =	vperm.xlane v18, v3;
	_ =	sdelay $0x1  }
0x1b4: {  	v19 =	vmax.f32 v18, v19  }
0x1b5: {  	vm9 =	veq.f32 v22, v19;
	vm10 =	veq.f32 v20, v19;
	vm11 =	veq.f32 v23, v19  }
0x1b6: {  	vm12 =	veq.f32 v21, v19;
	v18 =	vnsel vm11, $0x40, v5  }
0x1b7: {  	v18 =	vsel vm12, v6, v18  }
0x1b8: {  	v18 =	vsel vm10, v7, v18  }
0x1b9: {  	v18 =	vsel vm9, v4, v18  }
0x1ba: {  	v24 =	vperm.xlane v18, v0;
	_ =	sdelay $0x1  }
0x1bb: {  	vm9 =	vlt.s32 v18, v24  }
0x1bc: {  	v18 =	vsel vm9, v18, v24  }
0x1bd: {  	v24 =	vperm.xlane v18, v1;
	_ =	sdelay $0x1  }
0x1be: {  	vm9 =	vlt.s32 v18, v24  }
0x1bf: {  	v18 =	vsel vm9, v18, v24  }
0x1c0: {  	v24 =	vperm.xlane v18, v2;
	_ =	sdelay $0x1  }
0x1c1: {  	vm9 =	vlt.s32 v18, v24  }
0x1c2: {  	v18 =	vsel vm9, v18, v24  }
0x1c3: {  	v24 =	vperm.xlane v18, v3;
	_ =	sdelay $0x1  }
0x1c4: {  	vm9 =	vlt.s32 v18, v24  }
0x1c5: {  	v18 =	vsel vm9, v18, v24  }
0x1c6: {  	vm9 =	veq.s32 v18, v4;
	vm10 =	veq.s32 v18, v7;
	vm11 =	veq.s32 v18, v6  }
0x1c7: {  	v22 =	vsel vm9, $0xBF800000, v22;
	v20 =	vsel vm10, $0xBF800000, v20;
	vm9 =	veq.s32 v18, v5  }
0x1c8: {  	v21 =	vsel vm11, $0xBF800000, v21;
	v23 =	vsel vm9, $0xBF800000, v23;
	v24 =	vmax.f32 v22, v20  }
0x1c9: {  	v25 =	vmax.f32 v21, v23  }
0x1ca: {  	v24 =	vmax.f32 v24, v25  }
0x1cb: {  	v25 =	vperm.xlane v24, v0;
	_ =	sdelay $0x1  }
0x1cc: {  	v24 =	vmax.f32 v24, v25  }
0x1cd: {  	v25 =	vperm.xlane v24, v1;
	_ =	sdelay $0x1  }
0x1ce: {  	v24 =	vmax.f32 v24, v25  }
0x1cf: {  	v25 =	vperm.xlane v24, v2;
	_ =	sdelay $0x1  }
0x1d0: {  	v24 =	vmax.f32 v24, v25  }
0x1d1: {  	v25 =	vperm.xlane v24, v3;
	_ =	sdelay $0x1  }
0x1d2: {  	v24 =	vmax.f32 v24, v25  }
0x1d3: {  	vm9 =	veq.f32 v22, v24;
	vm10 =	veq.f32 v20, v24;
	vm11 =	veq.f32 v23, v24  }
0x1d4: {  	vm12 =	veq.f32 v21, v24;
	v25 =	vnsel vm11, $0x40, v5  }
0x1d5: {  	v25 =	vsel vm12, v6, v25  }
0x1d6: {  	v25 =	vsel vm10, v7, v25  }
0x1d7: {  	v25 =	vsel vm9, v4, v25  }
0x1d8: {  	v26 =	vperm.xlane v25, v0;
	_ =	sdelay $0x1  }
0x1d9: {  	vm9 =	vlt.s32 v25, v26  }
0x1da: {  	v25 =	vsel vm9, v25, v26  }
0x1db: {  	v26 =	vperm.xlane v25, v1;
	_ =	sdelay $0x1  }
0x1dc: {  	vm9 =	vlt.s32 v25, v26  }
0x1dd: {  	v25 =	vsel vm9, v25, v26  }
0x1de: {  	v26 =	vperm.xlane v25, v2;
	_ =	sdelay $0x1  }
0x1df: {  	vm9 =	vlt.s32 v25, v26  }
0x1e0: {  	v25 =	vsel vm9, v25, v26  }
0x1e1: {  	v26 =	vperm.xlane v25, v3;
	_ =	sdelay $0x1  }
0x1e2: {  	vm9 =	vlt.s32 v25, v26  }
0x1e3: {  	v25 =	vsel vm9, v25, v26  }
0x1e4: {  	vm9 =	veq.s32 v25, v4;
	vm10 =	veq.s32 v25, v7;
	vm11 =	veq.s32 v25, v6  }
0x1e5: {  	v22 =	vsel vm9, $0xBF800000, v22;
	v20 =	vsel vm10, $0xBF800000, v20;
	vm9 =	veq.s32 v25, v5  }
0x1e6: {  	v21 =	vsel vm11, $0xBF800000, v21;
	v23 =	vsel vm9, $0xBF800000, v23;
	v26 =	vmax.f32 v22, v20  }
0x1e7: {  	v9 =	vnsel vm0, $0x0, v9;
	v27 =	vmax.f32 v21, v23  }
0x1e8: {  	v9 =	vsel vm1, v9, v11;
	v11 =	vmax.f32 v26, v27  }
0x1e9: {  	v9 =	vsel vm2, v9, v13;
	v13 =	vperm.xlane v11, v0  }
0x1ea: {  	v9 =	vsel vm3, v9, v15  }
0x1eb: {  	v9 =	vsel vm4, v9, v17;
	v11 =	vmax.f32 v11, v13  }
0x1ec: {  	v9 =	vsel vm5, v9, v19;
	v13 =	vperm.xlane v11, v1  }
0x1ed: {  	v9 =	vsel vm6, v9, v24  }
0x1ee: {  	v11 =	vmax.f32 v11, v13  }
0x1ef: {  	v13 =	vperm.xlane v11, v2;
	_ =	sdelay $0x1  }
0x1f0: {  	v11 =	vmax.f32 v11, v13  }
0x1f1: {  	v13 =	vperm.xlane v11, v3;
	_ =	sdelay $0x1  }
0x1f2: {  	v11 =	vmax.f32 v11, v13  }
0x1f3: {  	vm9 =	veq.f32 v21, v11;
	vm10 =	veq.f32 v23, v11;
	v9 =	vsel vm7, v9, v11  }
0x1f4: {  	vm11 =	veq.f32 v20, v11;
	v13 =	vnsel vm10, $0x40, v5;
	v15 =	vnsel vm8, $0x0, v9  }
0x1f5: {  	vm10 =	veq.f32 v22, v11;
	v11 =	vsel vm9, v6, v13;
	v13 =	vperm.xlane v15, v0  }
0x1f6: {  	v11 =	vsel vm11, v7, v11  }
0x1f7: {  	v11 =	vsel vm10, v4, v11;
	v13 =	vadd.f32 v15, v13  }
0x1f8: {  	v15 =	vperm.xlane v11, v0  }
0x1f9: {  	v17 =	vperm.xlane v13, v1  }
0x1fa: {  	vm9 =	vlt.s32 v11, v15  }
0x1fb: {  	v11 =	vsel vm9, v11, v15;
	v13 =	vadd.f32 v13, v17  }
0x1fc: {  	v15 =	vperm.xlane v11, v1  }
0x1fd: {  	v17 =	vperm.xlane v13, v2  }
0x1fe: {  	vm9 =	vlt.s32 v11, v15  }
0x1ff: {  	v11 =	vsel vm9, v11, v15;
	v13 =	vadd.f32 v13, v17  }
0x200: {  	v15 =	vperm.xlane v11, v2  }
0x201: {  	v8 =	vnsel vm0, $0x0, v8;
	v17 =	vperm.xlane v13, v3  }
0x202: {  	v8 =	vsel vm1, v8, v10;
	vm9 =	vlt.s32 v11, v15  }
0x203: {  	v8 =	vsel vm2, v8, v12;
	v10 =	vsel vm9, v11, v15;
	v11 =	vadd.f32 v13, v17  }
0x204: {  	v8 =	vsel vm3, v8, v14;
	v12 =	vperm.xlane v10, v3  }
.Ltmp0:
0x205: {  	v8 =	vsel vm4, v8, v16;
	(erf) = vrcp.f32 v11;
	(pc) =	sbr.rel @p0 .LBB2_2-.Ltmp0, $4  }
0x206: {  	v8 =	vsel vm5, v8, v18;
	vm9 =	vlt.s32 v10, v12  }
0x207: {  	v8 =	vsel vm6, v8, v25;
	v10 =	vsel vm9, v10, v12  }
0x208: {  	s14 =	sshra.s32 s13, $0x2;
	v8 =	vsel vm7, v8, v10  }
0x209: {  	[tilespmem:s14+$0xA000] =	vst v8  }
0x20a: {  	_ =	sdelay $0x3  }
0x20b: {  	v8 =	vpop (erf)  }
0x20c: {  	v8 =	vmul.f32 v8, v9;
	_ =	sdelay $0x1  }
0x20d: {  	[tilespmem:s14+$0x8000] =	vst v8  }
0x20e: {  	[hbm4b:s4+s2] =	stream.linear.scatter [tilespmem:s8], [sflag:$0x1], $0x2000, $0x38;
	[tilespmem:$0xC000] =	vst v63  }
0x20f: {  	s10 =	sadd.s32 $0x1, s10;
	_ =	swait.ge [sflag:s7], $0x2000  }
0x210: {  	p0 =	sne.s32 s10, s6;
	[sflag:s7] =	ssyncset.done $0x0  }
.Ltmp1:
0x211: {  	[sflag:s7] =	ssyncadd.s32 $0xFFFFE000;
	(pc) =	sbr.rel @p0 .LBB2_1-.Ltmp1, $4  }
0x212: {  	[hbm4b:s5+s2] =	stream.linear.scatter [tilespmem:s9], [sflag:$0x1], $0x2000, $0x38;
	[tilespmem:$0xC000] =	vst v63  }
0x213: {  	_ =	swait.ge [sflag:s7], $0x2000  }
0x214: {  	[sflag:s7] =	ssyncset.done $0x0  }
0x215: {  	[sflag:s7] =	ssyncadd.s32 $0xFFFFE000  }
0x216: {  	_ =	sfence.sel $0x180000  }
0x217: {  	[bflag:$0x0] =	sbarrier.arrive $0xFFFF  }
0x218: {  	p0 =	sne.s32 s1, $0x0;
	_ =	strace $0x90000047  }
0x219: {  	s0 =	sadd.s32 @!p0 $0x100000, s0;
	[bflag:$0x2] =	sbarrier.arrive $0xFFFF  }
0x21a: {  	[sflag:s0] =	ssyncadd.tile.s32 @!p0 $0x1;
	_ =	shalt  }
.Lfunc_end2:
_tile_overlayer_lowered:
.L_overlay_start_2:
0x21b: {  	(tag) =	ssettag $0x2  }
0x21c: {  	s0 =	rddreg [dreg:$0x0];
	s2 =	stileid.u32  }
0x21d: {  	s1 =	rddreg [dreg:$0x1];
	p0 =	sne.s32 s2, $0x0  }
0x21e: {  	s3 =	rddreg [dreg:$0x2];
	[bflag:$0x3] =	sbarrier.arrive $0xFFFF;
	s2 =	simm.s32 @!p0 $0x1C01  }
0x21f: {  	[timem:s3], [sflag:s2] =	dma.local @!p0 [hbm:s0], s1  }
0x220: {  	s0 =	simm.s32 @!p0 $0x1  }
0x221: {  	_ =	swait.ge @!p0 [sflag:s0], s1  }
0x222: {  	s1 =	ssub.s32 @!p0 $0x0, s1;
	[sflag:s0] =	ssyncset.done @!p0 $0x0  }
0x223: {  	[sflag:s0] =	ssyncadd.s32 @!p0 s1  }
0x224: {  	[bflag:$0x3] =	sbarrier.arrive $0xFFFF  }
0x225: {  	_ =	shalt  }

</sc_bundles>
